<compile_context>
chip_gen: v7x
topology: tpu7x:2x2x1
jax: 0.10.2.dev20260603
libtpu: 0.0.44.dev20260713+nightly
codegen_flags: <defaults>
</compile_context>

<pallas_src>
import functools

import jax
import jax.numpy as jnp
from jax import lax
from jax.experimental import pallas as pl
from jax.experimental.pallas import tpu as pltpu
from jax.experimental.pallas import tpu_sc as plsc

N_E = 1024
E_DIM = 256
BETA = 0.25
BT = 1024
N_TOK = 16 * 1024
NB = N_TOK // BT

NW = 32
B_PER_W = N_TOK // NW
CHUNK = 128
N_CHUNK = B_PER_W // CHUNK
N_BUF = 3


def _vq_body(z_ref, mask_ref, emb_ref,
             idx_ref, loss_ref, perp_ref,
             hist_acc, loss_acc, esq_acc):
    i = pl.program_id(0)
    zb = z_ref[0]
    emb = emb_ref[...]

    @pl.when(i == 0)
    def _init():
        hist_acc[...] = jnp.zeros((1, N_E), jnp.float32)
        loss_acc[0, 0] = 0.0
        esq_acc[...] = lax.dot_general(
            jnp.ones((8, E_DIM), jnp.float32), emb * emb,
            dimension_numbers=(((1,), (1,)), ((), ())),
            preferred_element_type=jnp.float32,
            precision=lax.Precision.HIGHEST)[0:1]

    zsq = jnp.sum(zb * zb, axis=1, keepdims=True)
    esq = esq_acc[...]
    mm = lax.dot_general(
        zb, emb,
        dimension_numbers=(((1,), (1,)), ((), ())),
        preferred_element_type=jnp.float32)
    d = (zsq + esq) - 2.0 * mm

    dmin = jnp.min(d, axis=1, keepdims=True)
    jidx = lax.broadcasted_iota(jnp.int32, (BT, N_E), 1)
    idx = jnp.min(jnp.where(d == dmin, jidx, N_E), axis=1)
    idx_ref[0, 0, :] = idx

    one_hot = (jidx == idx[:, None]).astype(jnp.bfloat16)
    mb = mask_ref[0, 0, :]
    hist_acc[...] += lax.dot_general(
        jnp.ones((8, BT), jnp.bfloat16), one_hot,
        dimension_numbers=(((1,), (0,)), ((), ())),
        preferred_element_type=jnp.float32)[0:1]
    loss_acc[0, 0] += jnp.sum(mb * dmin[:, 0])

    @pl.when(i == NB - 1)
    def _final():
        loss_ref[0, 0] = (1.0 + BETA) * loss_acc[0, 0] / (N_TOK * E_DIM)
        e_mean = hist_acc[...] * (1.0 / N_TOK)
        ent = jnp.sum(e_mean * jnp.log(e_mean + 1e-10))
        perp_ref[0, 0] = jnp.exp(-ent)


def _tc_argmin(z3, mask3, embedding):
    return pl.pallas_call(
        _vq_body,
        grid=(NB,),
        in_specs=[
            pl.BlockSpec((1, BT, E_DIM), lambda i: (i, 0, 0)),
            pl.BlockSpec((1, 1, BT), lambda i: (i, 0, 0)),
            pl.BlockSpec((N_E, E_DIM), lambda i: (0, 0)),
        ],
        out_specs=[
            pl.BlockSpec((1, 1, BT), lambda i: (i, 0, 0)),
            pl.BlockSpec(memory_space=pltpu.SMEM),
            pl.BlockSpec(memory_space=pltpu.SMEM),
        ],
        out_shape=[
            jax.ShapeDtypeStruct((NB, 1, BT), jnp.int32),
            jax.ShapeDtypeStruct((1, 1), jnp.float32),
            jax.ShapeDtypeStruct((1, 1), jnp.float32),
        ],
        scratch_shapes=[
            pltpu.VMEM((1, N_E), jnp.float32),
            pltpu.SMEM((1, 1), jnp.float32),
            pltpu.VMEM((1, N_E), jnp.float32),
        ],
    )(z3, mask3, embedding)


@functools.partial(
    pl.kernel,
    mesh=plsc.VectorSubcoreMesh(core_axis_name="c", subcore_axis_name="s"),
    out_type=jax.ShapeDtypeStruct((N_TOK, E_DIM), jnp.float32),
    scratch_types=(
        [pltpu.VMEM((N_CHUNK, CHUNK), jnp.int32)]
        + [pltpu.VMEM((CHUNK, E_DIM), jnp.float32)] * N_BUF
        + [pltpu.SemaphoreType.DMA] * (2 * N_BUF)
    ),
)
def _sc_gather(emb_hbm, idx_hbm, out_hbm, idx_v, *bufs_and_sems):
    rows = bufs_and_sems[:N_BUF]
    gsem = bufs_and_sems[N_BUF:2 * N_BUF]
    ssem = bufs_and_sems[2 * N_BUF:]
    wid = lax.axis_index("s") * 2 + lax.axis_index("c")
    base = wid * B_PER_W
    pltpu.sync_copy(idx_hbm.at[wid], idx_v)
    gathers = [None] * N_CHUNK
    stores = [None] * N_CHUNK
    for c in range(N_BUF):
        gathers[c] = pltpu.async_copy(emb_hbm.at[idx_v.at[c]],
                                      rows[c], gsem[c])
    for c in range(N_CHUNK):
        b = c % N_BUF
        gathers[c].wait()
        stores[c] = pltpu.async_copy(
            rows[b], out_hbm.at[pl.ds(base + c * CHUNK, CHUNK)], ssem[b])
        nxt = c + N_BUF
        if nxt < N_CHUNK:
            stores[c].wait()
            gathers[nxt] = pltpu.async_copy(emb_hbm.at[idx_v.at[nxt]],
                                            rows[b], gsem[b])
    for c in range(N_CHUNK - N_BUF, N_CHUNK):
        if c >= 0:
            stores[c].wait()


def kernel(z, mask, embedding):
    z3 = z.reshape(NB, BT, E_DIM)
    mask3 = mask.reshape(NB, 1, BT)
    idx3, loss, perp = _tc_argmin(z3, mask3, embedding)
    idx_flat = idx3.reshape(N_TOK)
    zq = _sc_gather(embedding, idx_flat.reshape(NW, N_CHUNK, CHUNK))
    return (zq.reshape(z.shape), idx_flat.reshape(N_TOK, 1),
            loss[0, 0], perp[0, 0])

# --- scband reference (transcript-rebuilt; emitter-appended) ---
"""Pipeline reference for scband-vector-quantizer-11922829214089 (READ-ONLY COPY).

The authoritative reference and input builder live on the scoring server;
editing this copy changes nothing except your own understanding.
"""

import jax, jax.numpy as jnp
import numpy as np

N_E = 1024
E_DIM = 256
BETA = 0.25


def setup_inputs(seed: int = 0) -> dict:
    key = jax.random.key(seed)
    k1, k2, k3 = jax.random.split(key, 3)
    z = jax.random.normal(k1, (16, 1024, 256), dtype=jnp.float32)
    mask = jnp.ones((16, 1024), dtype=jnp.float32)
    embedding = jax.random.uniform(k3, (N_E, E_DIM), minval=-1.0 / N_E, maxval=1.0 / N_E, dtype=jnp.float32)
    return {"z": z, "mask": mask, "embedding": embedding}


def reference(z, mask, embedding):
    beta = BETA
    n_e, e_dim = embedding.shape
    z_flattened = z.reshape(-1, e_dim)
    mask_expanded = mask[..., None]
    # d = ||z||^2 + ||e||^2 - 2 z e^T
    d = (jnp.sum(z_flattened ** 2, axis=1, keepdims=True)
         + jnp.sum(embedding ** 2, axis=1)
         - 2.0 * jnp.matmul(z_flattened, embedding.T))
    min_encoding_indices = jnp.argmin(d, axis=1)[:, None]
    n_tok = min_encoding_indices.shape[0]
    min_encodings = jnp.zeros((n_tok, n_e), dtype=z.dtype).at[
        jnp.arange(n_tok), min_encoding_indices[:, 0]
    ].set(1.0)
    z_q = jnp.matmul(min_encodings, embedding).reshape(z.shape)
    loss = (jnp.mean((jax.lax.stop_gradient(z_q) - z) ** 2 * mask_expanded)
            + beta * jnp.mean((z_q - jax.lax.stop_gradient(z)) ** 2 * mask_expanded))
    z_q_st = z + jax.lax.stop_gradient(z_q - z)
    e_mean = jnp.mean(min_encodings, axis=0)
    perplexity = jnp.exp(-jnp.sum(e_mean * jnp.log(e_mean + 1e-10)))
    return (z_q_st, min_encoding_indices, loss, perplexity)

if __name__ == "__main__":
    import jax
    _d = setup_inputs()
    print(jax.jit(kernel)(*tuple(_d.values())))

</pallas_src>

<mosaic_0001>
#map = affine_map<(d0, d1) -> (0, 0)>
#map1 = affine_map<(d0, d1) -> (0, 0, 0)>
module attributes {stable_mosaic.version = 14 : i64} {
  func.func @_sc_gather(%arg0: i32, %arg1: i32, %arg2: memref<1024x256xf32, #tpu.memory_space<hbm>>, %arg3: memref<32x4x128xi32, #tpu.memory_space<hbm>>, %arg4: memref<16384x256xf32, #tpu.memory_space<hbm>>, %arg5: memref<4x128xi32, #tpu.memory_space<vmem>>, %arg6: memref<128x256xf32, #tpu.memory_space<vmem>>, %arg7: memref<128x256xf32, #tpu.memory_space<vmem>>, %arg8: memref<128x256xf32, #tpu.memory_space<vmem>>, %arg9: memref<!tpu.dma_semaphore, #tpu.memory_space<semaphore_mem>>, %arg10: memref<!tpu.dma_semaphore, #tpu.memory_space<semaphore_mem>>, %arg11: memref<!tpu.dma_semaphore, #tpu.memory_space<semaphore_mem>>, %arg12: memref<!tpu.dma_semaphore, #tpu.memory_space<semaphore_mem>>, %arg13: memref<!tpu.dma_semaphore, #tpu.memory_space<semaphore_mem>>, %arg14: memref<!tpu.dma_semaphore, #tpu.memory_space<semaphore_mem>>) attributes {dimension_semantics = [#tpu.dimension_semantics<core_parallel>, #tpu.dimension_semantics<subcore_parallel>], iteration_bounds = array<i64: 2, 16>, scalar_prefetch = 0 : i64, scratch_operands = 10 : i64, tpu.core_type = #tpu.core_type<sc_vector_subcore>, window_params = [{transform_indices = #map}, {transform_indices = #map1}, {transform_indices = #map}]} {
    %mul3A = arith.constant 2 : i32
    %mul3A_0 = arith.muli %arg1, %mul3A : i32
    %add3A = arith.addi %mul3A_0, %arg0 : i32
    %mul3A_1 = arith.constant 512 : i32
    %mul3A_2 = arith.muli %add3A, %mul3A_1 : i32
    "tpu.region"() ({
      %run_scoped3A = tpu.sem_alloc : memref<!tpu.dma_semaphore, #tpu.memory_space<semaphore_mem>>
      %dma_start3A_97 = arith.constant 0 : i32
      %dma_start3A_98 = arith.constant 0 : i32
      %dma_start3A_99 = tpu.memref_slice %arg3[%add3A, %dma_start3A_97, %dma_start3A_98] : memref<32x4x128xi32, #tpu.memory_space<hbm>> -> memref<1x4x128xi32, #tpu.memory_space<hbm>>
      %dma_start3A_100 = tpu.memref_squeeze %dma_start3A_99 : memref<1x4x128xi32, #tpu.memory_space<hbm>> -> memref<4x128xi32, #tpu.memory_space<hbm>>
      %dma_start3A_101 = arith.constant 0 : i32
      %dma_start3A_102 = arith.constant 0 : i32
      %dma_start3A_103 = tpu.memref_slice %arg3[%add3A, %dma_start3A_101, %dma_start3A_102] : memref<32x4x128xi32, #tpu.memory_space<hbm>> -> memref<1x4x128xi32, #tpu.memory_space<hbm>>
      %dma_start3A_104 = tpu.memref_squeeze %dma_start3A_103 : memref<1x4x128xi32, #tpu.memory_space<hbm>> -> memref<4x128xi32, #tpu.memory_space<hbm>>
      tpu.enqueue_dma source(%dma_start3A_104 : memref<4x128xi32, #tpu.memory_space<hbm>>) target(%arg5 : memref<4x128xi32, #tpu.memory_space<vmem>>) target_semaphore(%run_scoped3A : memref<!tpu.dma_semaphore, #tpu.memory_space<semaphore_mem>>)
      %dma_wait3A_105 = arith.constant 0 : i32
      %dma_wait3A_106 = arith.constant 0 : i32
      %dma_wait3A_107 = tpu.memref_slice %arg3[%add3A, %dma_wait3A_105, %dma_wait3A_106] : memref<32x4x128xi32, #tpu.memory_space<hbm>> -> memref<1x4x128xi32, #tpu.memory_space<hbm>>
      %dma_wait3A_108 = tpu.memref_squeeze %dma_wait3A_107 : memref<1x4x128xi32, #tpu.memory_space<hbm>> -> memref<4x128xi32, #tpu.memory_space<hbm>>
      %dma_wait3A_109 = arith.constant 0 : i32
      %dma_wait3A_110 = arith.constant 0 : i32
      %dma_wait3A_111 = tpu.memref_slice %arg3[%add3A, %dma_wait3A_109, %dma_wait3A_110] : memref<32x4x128xi32, #tpu.memory_space<hbm>> -> memref<1x4x128xi32, #tpu.memory_space<hbm>>
      %dma_wait3A_112 = tpu.memref_squeeze %dma_wait3A_111 : memref<1x4x128xi32, #tpu.memory_space<hbm>> -> memref<4x128xi32, #tpu.memory_space<hbm>>
      tpu.wait_dma2 semaphore(%run_scoped3A : memref<!tpu.dma_semaphore, #tpu.memory_space<semaphore_mem>>) src(%dma_wait3A_112 : memref<4x128xi32, #tpu.memory_space<hbm>>) dst(%arg5 : memref<4x128xi32, #tpu.memory_space<vmem>>)
      tpu.yield
    }) : () -> ()
    %dma_start3A = arith.constant 0 : i32
    %dma_start3A_3 = arith.constant 0 : i32
    %dma_start3A_4 = tpu.memref_slice %arg5[%dma_start3A, %dma_start3A_3] : memref<4x128xi32, #tpu.memory_space<vmem>> -> memref<1x128xi32, #tpu.memory_space<vmem>>
    %dma_start3A_5 = tpu.memref_squeeze %dma_start3A_4 : memref<1x128xi32, #tpu.memory_space<vmem>> -> memref<128xi32, #tpu.memory_space<vmem>>
    %dma_start3A_6 = arith.constant 0 : i32
    %dma_start3A_7 = arith.constant 0 : i32
    %dma_start3A_8 = tpu.memref_slice %arg2[%dma_start3A_6, %dma_start3A_7] : memref<1024x256xf32, #tpu.memory_space<hbm>> -> memref<1024x256xf32, #tpu.memory_space<hbm>>
    tpu.enqueue_indirect_dma source(%dma_start3A_8 : memref<1024x256xf32, #tpu.memory_space<hbm>>) target(%arg6 : memref<128x256xf32, #tpu.memory_space<vmem>>) offsets(%dma_start3A_5 : memref<128xi32, #tpu.memory_space<vmem>>) semaphore(%arg9 : memref<!tpu.dma_semaphore, #tpu.memory_space<semaphore_mem>>)
    %dma_start3A_9 = arith.constant 1 : i32
    %dma_start3A_10 = arith.constant 0 : i32
    %dma_start3A_11 = tpu.memref_slice %arg5[%dma_start3A_9, %dma_start3A_10] : memref<4x128xi32, #tpu.memory_space<vmem>> -> memref<1x128xi32, #tpu.memory_space<vmem>>
    %dma_start3A_12 = tpu.memref_squeeze %dma_start3A_11 : memref<1x128xi32, #tpu.memory_space<vmem>> -> memref<128xi32, #tpu.memory_space<vmem>>
    %dma_start3A_13 = arith.constant 0 : i32
    %dma_start3A_14 = arith.constant 0 : i32
    %dma_start3A_15 = tpu.memref_slice %arg2[%dma_start3A_13, %dma_start3A_14] : memref<1024x256xf32, #tpu.memory_space<hbm>> -> memref<1024x256xf32, #tpu.memory_space<hbm>>
    tpu.enqueue_indirect_dma source(%dma_start3A_15 : memref<1024x256xf32, #tpu.memory_space<hbm>>) target(%arg7 : memref<128x256xf32, #tpu.memory_space<vmem>>) offsets(%dma_start3A_12 : memref<128xi32, #tpu.memory_space<vmem>>) semaphore(%arg10 : memref<!tpu.dma_semaphore, #tpu.memory_space<semaphore_mem>>)
    %dma_start3A_16 = arith.constant 2 : i32
    %dma_start3A_17 = arith.constant 0 : i32
    %dma_start3A_18 = tpu.memref_slice %arg5[%dma_start3A_16, %dma_start3A_17] : memref<4x128xi32, #tpu.memory_space<vmem>> -> memref<1x128xi32, #tpu.memory_space<vmem>>
    %dma_start3A_19 = tpu.memref_squeeze %dma_start3A_18 : memref<1x128xi32, #tpu.memory_space<vmem>> -> memref<128xi32, #tpu.memory_space<vmem>>
    %dma_start3A_20 = arith.constant 0 : i32
    %dma_start3A_21 = arith.constant 0 : i32
    %dma_start3A_22 = tpu.memref_slice %arg2[%dma_start3A_20, %dma_start3A_21] : memref<1024x256xf32, #tpu.memory_space<hbm>> -> memref<1024x256xf32, #tpu.memory_space<hbm>>
    tpu.enqueue_indirect_dma source(%dma_start3A_22 : memref<1024x256xf32, #tpu.memory_space<hbm>>) target(%arg8 : memref<128x256xf32, #tpu.memory_space<vmem>>) offsets(%dma_start3A_19 : memref<128xi32, #tpu.memory_space<vmem>>) semaphore(%arg11 : memref<!tpu.dma_semaphore, #tpu.memory_space<semaphore_mem>>)
    %dma_wait3A = arith.constant 0 : i32
    %dma_wait3A_23 = arith.constant 0 : i32
    %dma_wait3A_24 = tpu.memref_slice %arg5[%dma_wait3A, %dma_wait3A_23] : memref<4x128xi32, #tpu.memory_space<vmem>> -> memref<1x128xi32, #tpu.memory_space<vmem>>
    %dma_wait3A_25 = tpu.memref_squeeze %dma_wait3A_24 : memref<1x128xi32, #tpu.memory_space<vmem>> -> memref<128xi32, #tpu.memory_space<vmem>>
    %dma_wait3A_26 = arith.constant 0 : i32
    %dma_wait3A_27 = arith.constant 0 : i32
    %dma_wait3A_28 = tpu.memref_slice %arg2[%dma_wait3A_26, %dma_wait3A_27] : memref<1024x256xf32, #tpu.memory_space<hbm>> -> memref<1024x256xf32, #tpu.memory_space<hbm>>
    tpu.wait_indirect_dma semaphore(%arg9 : memref<!tpu.dma_semaphore, #tpu.memory_space<semaphore_mem>>) src(%dma_wait3A_28 : memref<1024x256xf32, #tpu.memory_space<hbm>>) dst(%arg6 : memref<128x256xf32, #tpu.memory_space<vmem>>)
    %add3A_29 = arith.constant 0 : i32
    %add3A_30 = arith.addi %mul3A_2, %add3A_29 : i32
    %dma_start3A_31 = arith.constant 0 : i32
    %dma_start3A_32 = tpu.memref_slice %arg4[%add3A_30, %dma_start3A_31] : memref<16384x256xf32, #tpu.memory_space<hbm>> -> memref<128x256xf32, #tpu.memory_space<hbm>>
    %dma_start3A_33 = arith.constant 0 : i32
    %dma_start3A_34 = tpu.memref_slice %arg4[%add3A_30, %dma_start3A_33] : memref<16384x256xf32, #tpu.memory_space<hbm>> -> memref<128x256xf32, #tpu.memory_space<hbm>>
    tpu.enqueue_dma source(%arg6 : memref<128x256xf32, #tpu.memory_space<vmem>>) target(%dma_start3A_34 : memref<128x256xf32, #tpu.memory_space<hbm>>) target_semaphore(%arg12 : memref<!tpu.dma_semaphore, #tpu.memory_space<semaphore_mem>>)
    %dma_wait3A_35 = arith.constant 0 : i32
    %dma_wait3A_36 = tpu.memref_slice %arg4[%add3A_30, %dma_wait3A_35] : memref<16384x256xf32, #tpu.memory_space<hbm>> -> memref<128x256xf32, #tpu.memory_space<hbm>>
    %dma_wait3A_37 = arith.constant 0 : i32
    %dma_wait3A_38 = tpu.memref_slice %arg4[%add3A_30, %dma_wait3A_37] : memref<16384x256xf32, #tpu.memory_space<hbm>> -> memref<128x256xf32, #tpu.memory_space<hbm>>
    tpu.wait_dma2 semaphore(%arg12 : memref<!tpu.dma_semaphore, #tpu.memory_space<semaphore_mem>>) src(%arg6 : memref<128x256xf32, #tpu.memory_space<vmem>>) dst(%dma_wait3A_38 : memref<128x256xf32, #tpu.memory_space<hbm>>)
    %dma_start3A_39 = arith.constant 3 : i32
    %dma_start3A_40 = arith.constant 0 : i32
    %dma_start3A_41 = tpu.memref_slice %arg5[%dma_start3A_39, %dma_start3A_40] : memref<4x128xi32, #tpu.memory_space<vmem>> -> memref<1x128xi32, #tpu.memory_space<vmem>>
    %dma_start3A_42 = tpu.memref_squeeze %dma_start3A_41 : memref<1x128xi32, #tpu.memory_space<vmem>> -> memref<128xi32, #tpu.memory_space<vmem>>
    %dma_start3A_43 = arith.constant 0 : i32
    %dma_start3A_44 = arith.constant 0 : i32
    %dma_start3A_45 = tpu.memref_slice %arg2[%dma_start3A_43, %dma_start3A_44] : memref<1024x256xf32, #tpu.memory_space<hbm>> -> memref<1024x256xf32, #tpu.memory_space<hbm>>
    tpu.enqueue_indirect_dma source(%dma_start3A_45 : memref<1024x256xf32, #tpu.memory_space<hbm>>) target(%arg6 : memref<128x256xf32, #tpu.memory_space<vmem>>) offsets(%dma_start3A_42 : memref<128xi32, #tpu.memory_space<vmem>>) semaphore(%arg9 : memref<!tpu.dma_semaphore, #tpu.memory_space<semaphore_mem>>)
    %dma_wait3A_46 = arith.constant 1 : i32
    %dma_wait3A_47 = arith.constant 0 : i32
    %dma_wait3A_48 = tpu.memref_slice %arg5[%dma_wait3A_46, %dma_wait3A_47] : memref<4x128xi32, #tpu.memory_space<vmem>> -> memref<1x128xi32, #tpu.memory_space<vmem>>
    %dma_wait3A_49 = tpu.memref_squeeze %dma_wait3A_48 : memref<1x128xi32, #tpu.memory_space<vmem>> -> memref<128xi32, #tpu.memory_space<vmem>>
    %dma_wait3A_50 = arith.constant 0 : i32
    %dma_wait3A_51 = arith.constant 0 : i32
    %dma_wait3A_52 = tpu.memref_slice %arg2[%dma_wait3A_50, %dma_wait3A_51] : memref<1024x256xf32, #tpu.memory_space<hbm>> -> memref<1024x256xf32, #tpu.memory_space<hbm>>
    tpu.wait_indirect_dma semaphore(%arg10 : memref<!tpu.dma_semaphore, #tpu.memory_space<semaphore_mem>>) src(%dma_wait3A_52 : memref<1024x256xf32, #tpu.memory_space<hbm>>) dst(%arg7 : memref<128x256xf32, #tpu.memory_space<vmem>>)
    %add3A_53 = arith.constant 128 : i32
    %add3A_54 = arith.addi %mul3A_2, %add3A_53 : i32
    %dma_start3A_55 = arith.constant 0 : i32
    %dma_start3A_56 = tpu.memref_slice %arg4[%add3A_54, %dma_start3A_55] : memref<16384x256xf32, #tpu.memory_space<hbm>> -> memref<128x256xf32, #tpu.memory_space<hbm>>
    %dma_start3A_57 = arith.constant 0 : i32
    %dma_start3A_58 = tpu.memref_slice %arg4[%add3A_54, %dma_start3A_57] : memref<16384x256xf32, #tpu.memory_space<hbm>> -> memref<128x256xf32, #tpu.memory_space<hbm>>
    tpu.enqueue_dma source(%arg7 : memref<128x256xf32, #tpu.memory_space<vmem>>) target(%dma_start3A_58 : memref<128x256xf32, #tpu.memory_space<hbm>>) target_semaphore(%arg13 : memref<!tpu.dma_semaphore, #tpu.memory_space<semaphore_mem>>)
    %dma_wait3A_59 = arith.constant 2 : i32
    %dma_wait3A_60 = arith.constant 0 : i32
    %dma_wait3A_61 = tpu.memref_slice %arg5[%dma_wait3A_59, %dma_wait3A_60] : memref<4x128xi32, #tpu.memory_space<vmem>> -> memref<1x128xi32, #tpu.memory_space<vmem>>
    %dma_wait3A_62 = tpu.memref_squeeze %dma_wait3A_61 : memref<1x128xi32, #tpu.memory_space<vmem>> -> memref<128xi32, #tpu.memory_space<vmem>>
    %dma_wait3A_63 = arith.constant 0 : i32
    %dma_wait3A_64 = arith.constant 0 : i32
    %dma_wait3A_65 = tpu.memref_slice %arg2[%dma_wait3A_63, %dma_wait3A_64] : memref<1024x256xf32, #tpu.memory_space<hbm>> -> memref<1024x256xf32, #tpu.memory_space<hbm>>
    tpu.wait_indirect_dma semaphore(%arg11 : memref<!tpu.dma_semaphore, #tpu.memory_space<semaphore_mem>>) src(%dma_wait3A_65 : memref<1024x256xf32, #tpu.memory_space<hbm>>) dst(%arg8 : memref<128x256xf32, #tpu.memory_space<vmem>>)
    %add3A_66 = arith.constant 256 : i32
    %add3A_67 = arith.addi %mul3A_2, %add3A_66 : i32
    %dma_start3A_68 = arith.constant 0 : i32
    %dma_start3A_69 = tpu.memref_slice %arg4[%add3A_67, %dma_start3A_68] : memref<16384x256xf32, #tpu.memory_space<hbm>> -> memref<128x256xf32, #tpu.memory_space<hbm>>
    %dma_start3A_70 = arith.constant 0 : i32
    %dma_start3A_71 = tpu.memref_slice %arg4[%add3A_67, %dma_start3A_70] : memref<16384x256xf32, #tpu.memory_space<hbm>> -> memref<128x256xf32, #tpu.memory_space<hbm>>
    tpu.enqueue_dma source(%arg8 : memref<128x256xf32, #tpu.memory_space<vmem>>) target(%dma_start3A_71 : memref<128x256xf32, #tpu.memory_space<hbm>>) target_semaphore(%arg14 : memref<!tpu.dma_semaphore, #tpu.memory_space<semaphore_mem>>)
    %dma_wait3A_72 = arith.constant 3 : i32
    %dma_wait3A_73 = arith.constant 0 : i32
    %dma_wait3A_74 = tpu.memref_slice %arg5[%dma_wait3A_72, %dma_wait3A_73] : memref<4x128xi32, #tpu.memory_space<vmem>> -> memref<1x128xi32, #tpu.memory_space<vmem>>
    %dma_wait3A_75 = tpu.memref_squeeze %dma_wait3A_74 : memref<1x128xi32, #tpu.memory_space<vmem>> -> memref<128xi32, #tpu.memory_space<vmem>>
    %dma_wait3A_76 = arith.constant 0 : i32
    %dma_wait3A_77 = arith.constant 0 : i32
    %dma_wait3A_78 = tpu.memref_slice %arg2[%dma_wait3A_76, %dma_wait3A_77] : memref<1024x256xf32, #tpu.memory_space<hbm>> -> memref<1024x256xf32, #tpu.memory_space<hbm>>
    tpu.wait_indirect_dma semaphore(%arg9 : memref<!tpu.dma_semaphore, #tpu.memory_space<semaphore_mem>>) src(%dma_wait3A_78 : memref<1024x256xf32, #tpu.memory_space<hbm>>) dst(%arg6 : memref<128x256xf32, #tpu.memory_space<vmem>>)
    %add3A_79 = arith.constant 384 : i32
    %add3A_80 = arith.addi %mul3A_2, %add3A_79 : i32
    %dma_start3A_81 = arith.constant 0 : i32
    %dma_start3A_82 = tpu.memref_slice %arg4[%add3A_80, %dma_start3A_81] : memref<16384x256xf32, #tpu.memory_space<hbm>> -> memref<128x256xf32, #tpu.memory_space<hbm>>
    %dma_start3A_83 = arith.constant 0 : i32
    %dma_start3A_84 = tpu.memref_slice %arg4[%add3A_80, %dma_start3A_83] : memref<16384x256xf32, #tpu.memory_space<hbm>> -> memref<128x256xf32, #tpu.memory_space<hbm>>
    tpu.enqueue_dma source(%arg6 : memref<128x256xf32, #tpu.memory_space<vmem>>) target(%dma_start3A_84 : memref<128x256xf32, #tpu.memory_space<hbm>>) target_semaphore(%arg12 : memref<!tpu.dma_semaphore, #tpu.memory_space<semaphore_mem>>)
    %dma_wait3A_85 = arith.constant 0 : i32
    %dma_wait3A_86 = tpu.memref_slice %arg4[%add3A_54, %dma_wait3A_85] : memref<16384x256xf32, #tpu.memory_space<hbm>> -> memref<128x256xf32, #tpu.memory_space<hbm>>
    %dma_wait3A_87 = arith.constant 0 : i32
    %dma_wait3A_88 = tpu.memref_slice %arg4[%add3A_54, %dma_wait3A_87] : memref<16384x256xf32, #tpu.memory_space<hbm>> -> memref<128x256xf32, #tpu.memory_space<hbm>>
    tpu.wait_dma2 semaphore(%arg13 : memref<!tpu.dma_semaphore, #tpu.memory_space<semaphore_mem>>) src(%arg7 : memref<128x256xf32, #tpu.memory_space<vmem>>) dst(%dma_wait3A_88 : memref<128x256xf32, #tpu.memory_space<hbm>>)
    %dma_wait3A_89 = arith.constant 0 : i32
    %dma_wait3A_90 = tpu.memref_slice %arg4[%add3A_67, %dma_wait3A_89] : memref<16384x256xf32, #tpu.memory_space<hbm>> -> memref<128x256xf32, #tpu.memory_space<hbm>>
    %dma_wait3A_91 = arith.constant 0 : i32
    %dma_wait3A_92 = tpu.memref_slice %arg4[%add3A_67, %dma_wait3A_91] : memref<16384x256xf32, #tpu.memory_space<hbm>> -> memref<128x256xf32, #tpu.memory_space<hbm>>
    tpu.wait_dma2 semaphore(%arg14 : memref<!tpu.dma_semaphore, #tpu.memory_space<semaphore_mem>>) src(%arg8 : memref<128x256xf32, #tpu.memory_space<vmem>>) dst(%dma_wait3A_92 : memref<128x256xf32, #tpu.memory_space<hbm>>)
    %dma_wait3A_93 = arith.constant 0 : i32
    %dma_wait3A_94 = tpu.memref_slice %arg4[%add3A_80, %dma_wait3A_93] : memref<16384x256xf32, #tpu.memory_space<hbm>> -> memref<128x256xf32, #tpu.memory_space<hbm>>
    %dma_wait3A_95 = arith.constant 0 : i32
    %dma_wait3A_96 = tpu.memref_slice %arg4[%add3A_80, %dma_wait3A_95] : memref<16384x256xf32, #tpu.memory_space<hbm>> -> memref<128x256xf32, #tpu.memory_space<hbm>>
    tpu.wait_dma2 semaphore(%arg12 : memref<!tpu.dma_semaphore, #tpu.memory_space<semaphore_mem>>) src(%arg6 : memref<128x256xf32, #tpu.memory_space<vmem>>) dst(%dma_wait3A_96 : memref<128x256xf32, #tpu.memory_space<hbm>>)
    return
  }
}

module attributes {stable_mosaic.version = 14 : i64} {
  func.func @_vq_body(%arg0: i32, %arg1: memref<1x1024x256xf32, #tpu.memory_space<vmem>>, %arg2: memref<1x1x1024xf32, #tpu.memory_space<vmem>>, %arg3: memref<1024x256xf32, #tpu.memory_space<vmem>>, %arg4: memref<1x1x1024xi32, #tpu.memory_space<vmem>>, %arg5: memref<1x1xf32, #tpu.memory_space<smem>>, %arg6: memref<1x1xf32, #tpu.memory_space<smem>>, %arg7: memref<1x1024xf32, #tpu.memory_space<vmem>>, %arg8: memref<1x1xf32, #tpu.memory_space<smem>>, %arg9: memref<1x1024xf32, #tpu.memory_space<vmem>>) attributes {dimension_semantics = [#tpu.dimension_semantics<arbitrary>], iteration_bounds = array<i64: 16>, scalar_prefetch = 0 : i64, scratch_operands = 3 : i64, tpu.core_type = #tpu.core_type<tc>, window_params = [{transform_indices = @transform_0, window_bounds = array<i64: 1, 1024, 256>}, {transform_indices = @transform_1, window_bounds = array<i64: 1, 1, 1024>}, {pipeline_mode = #tpu.pipeline_mode<synchronous>, transform_indices = @transform_2, window_bounds = array<i64: 1024, 256>}, {transform_indices = @transform_3, window_bounds = array<i64: 1, 1, 1024>}, {transform_indices = @transform_4, window_bounds = array<i64: 1, 1>}, {transform_indices = @transform_5, window_bounds = array<i64: 1, 1>}]} {
    %get3A = arith.constant 0 : index
    %get3A_0 = arith.constant 0 : index
    %get3A_1 = arith.constant 0 : index
    %get3A_2 = vector.load %arg1[%get3A, %get3A_0, %get3A_1] : memref<1x1024x256xf32, #tpu.memory_space<vmem>>, vector<1x1024x256xf32>
    %get3A_3 = vector.shape_cast %get3A_2 : vector<1x1024x256xf32> to vector<1024x256xf32>
    %get3A_4 = arith.constant 0 : index
    %get3A_5 = arith.constant 0 : index
    %get3A_6 = vector.load %arg3[%get3A_4, %get3A_5] : memref<1024x256xf32, #tpu.memory_space<vmem>>, vector<1024x256xf32>
    %eq3A = arith.constant 0 : i32
    %eq3A_7 = arith.cmpi eq, %arg0, %eq3A : i32
    %convert_element_type3A = arith.extui %eq3A_7 : i1 to i32
    %cond3A = arith.constant 0 : i32
    %cond3A_8 = arith.cmpi ne, %convert_element_type3A, %cond3A : i32
    scf.if %cond3A_8 {
      %broadcast_in_dim3A_71 = arith.constant 0.000000e+00 : f32
      %broadcast_in_dim3A_72 = vector.broadcast %broadcast_in_dim3A_71 : f32 to vector<1x1024xf32>
      %swap3A_73 = arith.constant 0 : index
      %swap3A_74 = arith.constant 0 : index
      %swap3A_75 = vector.load %arg7[%swap3A_73, %swap3A_74] : memref<1x1024xf32, #tpu.memory_space<vmem>>, vector<1x1024xf32>
      tpu.vector_store %arg7[%swap3A_73, %swap3A_74], %broadcast_in_dim3A_72 {strides = array<i32>} : memref<1x1024xf32, #tpu.memory_space<vmem>>, vector<1x1024xf32>,
      %swap3A_76 = arith.constant 0.000000e+00 : f32
      %swap3A_77 = arith.constant 0 : index
      %swap3A_78 = arith.constant 0 : index
      %swap3A_79 = memref.load %arg8[%swap3A_77, %swap3A_78] : memref<1x1xf32, #tpu.memory_space<smem>>
      memref.store %swap3A_76, %arg8[%swap3A_77, %swap3A_78] : memref<1x1xf32, #tpu.memory_space<smem>>
      %broadcast_in_dim3A_80 = arith.constant 1.000000e+00 : f32
      %broadcast_in_dim3A_81 = vector.broadcast %broadcast_in_dim3A_80 : f32 to vector<8x256xf32>
      %mul3A_82 = arith.mulf %get3A_6, %get3A_6 : vector<1024x256xf32>
      %dot_general3A_83 = arith.constant dense<0.000000e+00> : vector<8x1024xf32>
      %dot_general3A_84 = tpu.matmul %broadcast_in_dim3A_81, %mul3A_82, %dot_general3A_83 {dimension_numbers = #tpu.dot_dimension_numbers<[1], [1], [0], [0], [0, 0, 1, 0], [], []>, precision = #tpu.contract_precision<fp32>, transpose_lhs_hint = false} : vector<8x256xf32>, vector<1024x256xf32>, vector<8x1024xf32> -> vector<8x1024xf32>
      %slice3A_85 = vector.extract_strided_slice %dot_general3A_84 {offsets = [0, 0], sizes = [1, 1024], strides = [1, 1]} : vector<8x1024xf32> to vector<1x1024xf32>
      %swap3A_86 = arith.constant 0 : index
      %swap3A_87 = arith.constant 0 : index
      %swap3A_88 = vector.load %arg9[%swap3A_86, %swap3A_87] : memref<1x1024xf32, #tpu.memory_space<vmem>>, vector<1x1024xf32>
      tpu.vector_store %arg9[%swap3A_86, %swap3A_87], %slice3A_85 {strides = array<i32>} : memref<1x1024xf32, #tpu.memory_space<vmem>>, vector<1x1024xf32>,
    } else {
    }
    %mul3A = arith.mulf %get3A_3, %get3A_3 : vector<1024x256xf32>
    %reduce_sum3A = arith.constant dense<0.000000e+00> : vector<1024xf32>
    %reduce_sum3A_9 = vector.multi_reduction <add>, %mul3A, %reduce_sum3A [1] : vector<1024x256xf32> to vector<1024xf32>
    %broadcast_in_dim3A = vector.shape_cast %reduce_sum3A_9 : vector<1024xf32> to vector<1024x1xf32>
    %get3A_10 = arith.constant 0 : index
    %get3A_11 = arith.constant 0 : index
    %get3A_12 = vector.load %arg9[%get3A_10, %get3A_11] : memref<1x1024xf32, #tpu.memory_space<vmem>>, vector<1x1024xf32>
    %dot_general3A = arith.constant dense<0.000000e+00> : vector<1024x1024xf32>
    %dot_general3A_13 = tpu.matmul %get3A_3, %get3A_6, %dot_general3A {dimension_numbers = #tpu.dot_dimension_numbers<[1], [1], [0], [0], [0, 0, 1, 0], [], []>, transpose_lhs_hint = false} : vector<1024x256xf32>, vector<1024x256xf32>, vector<1024x1024xf32> -> vector<1024x1024xf32>
    %add3A = vector.broadcast %broadcast_in_dim3A : vector<1024x1xf32> to vector<1024x1024xf32>
    %add3A_14 = vector.broadcast %get3A_12 : vector<1x1024xf32> to vector<1024x1024xf32>
    %add3A_15 = arith.addf %add3A, %add3A_14 : vector<1024x1024xf32>
    %mul3A_16 = arith.constant 2.000000e+00 : f32
    %mul3A_17 = vector.broadcast %mul3A_16 : f32 to vector<1024x1024xf32>
    %mul3A_18 = arith.mulf %mul3A_17, %dot_general3A_13 : vector<1024x1024xf32>
    %sub3A = arith.subf %add3A_15, %mul3A_18 : vector<1024x1024xf32>
    %reduce_min3A = arith.constant dense<0x7F800000> : vector<1024xf32>
    %reduce_min3A_19 = vector.multi_reduction <minimumf>, %sub3A, %reduce_min3A [1] : vector<1024x1024xf32> to vector<1024xf32>
    %broadcast_in_dim3A_20 = vector.shape_cast %reduce_min3A_19 : vector<1024xf32> to vector<1024x1xf32>
    %iota3A = tpu.iota {dimensions = array<i32: 1>} : vector<1024x1024xi32>
    %eq3A_21 = vector.broadcast %broadcast_in_dim3A_20 : vector<1024x1xf32> to vector<1024x1024xf32>
    %eq3A_22 = arith.cmpf oeq, %sub3A, %eq3A_21 : vector<1024x1024xf32>
    %jit3A = arith.constant 1024 : i32
    %broadcast_in_dim3A_23 = vector.broadcast %jit3A : i32 to vector<1024x1024xi32>
    %select_n3A = arith.select %eq3A_22, %iota3A, %broadcast_in_dim3A_23 : vector<1024x1024xi1>, vector<1024x1024xi32>
    %reduce_min3A_24 = arith.constant dense<2147483647> : vector<1024xi32>
    %reduce_min3A_25 = vector.multi_reduction <minsi>, %select_n3A, %reduce_min3A_24 [1] : vector<1024x1024xi32> to vector<1024xi32>
    %swap3A = arith.constant 0 : index
    %swap3A_26 = arith.constant 0 : index
    %swap3A_27 = arith.constant 0 : index
    %swap3A_28 = vector.load %arg4[%swap3A, %swap3A_26, %swap3A_27] : memref<1x1x1024xi32, #tpu.memory_space<vmem>>, vector<1x1x1024xi32>
    %swap3A_29 = vector.shape_cast %swap3A_28 : vector<1x1x1024xi32> to vector<1024xi32>
    %swap3A_30 = vector.shape_cast %reduce_min3A_25 : vector<1024xi32> to vector<1x1x1024xi32>
    tpu.vector_store %arg4[%swap3A, %swap3A_26, %swap3A_27], %swap3A_30 {strides = array<i32>} : memref<1x1x1024xi32, #tpu.memory_space<vmem>>, vector<1x1x1024xi32>,
    %broadcast_in_dim3A_31 = vector.shape_cast %reduce_min3A_25 : vector<1024xi32> to vector<1024x1xi32>
    %eq3A_32 = vector.broadcast %broadcast_in_dim3A_31 : vector<1024x1xi32> to vector<1024x1024xi32>
    %eq3A_33 = arith.cmpi eq, %iota3A, %eq3A_32 : vector<1024x1024xi32>
    %convert_element_type3A_34 = arith.extui %eq3A_33 : vector<1024x1024xi1> to vector<1024x1024xi32>
    %convert_element_type3A_35 = arith.sitofp %convert_element_type3A_34 : vector<1024x1024xi32> to vector<1024x1024xf32>
    %convert_element_type3A_36 = arith.truncf %convert_element_type3A_35 : vector<1024x1024xf32> to vector<1024x1024xbf16>
    %get3A_37 = arith.constant 0 : index
    %get3A_38 = arith.constant 0 : index
    %get3A_39 = arith.constant 0 : index
    %get3A_40 = vector.load %arg2[%get3A_37, %get3A_38, %get3A_39] : memref<1x1x1024xf32, #tpu.memory_space<vmem>>, vector<1x1x1024xf32>
    %get3A_41 = vector.shape_cast %get3A_40 : vector<1x1x1024xf32> to vector<1024xf32>
    %get3A_42 = arith.constant 0 : index
    %get3A_43 = arith.constant 0 : index
    %get3A_44 = vector.load %arg7[%get3A_42, %get3A_43] : memref<1x1024xf32, #tpu.memory_space<vmem>>, vector<1x1024xf32>
    %broadcast_in_dim3A_45 = arith.constant 1.000000e+00 : bf16
    %broadcast_in_dim3A_46 = vector.broadcast %broadcast_in_dim3A_45 : bf16 to vector<8x1024xbf16>
    %dot_general3A_47 = arith.constant dense<0.000000e+00> : vector<8x1024xf32>
    %dot_general3A_48 = tpu.matmul %broadcast_in_dim3A_46, %convert_element_type3A_36, %dot_general3A_47 {dimension_numbers = #tpu.dot_dimension_numbers<[1], [0], [0], [1], [0, 0, 1, 1], [], []>, transpose_lhs_hint = false} : vector<8x1024xbf16>, vector<1024x1024xbf16>, vector<8x1024xf32> -> vector<8x1024xf32>
    %slice3A = vector.extract_strided_slice %dot_general3A_48 {offsets = [0, 0], sizes = [1, 1024], strides = [1, 1]} : vector<8x1024xf32> to vector<1x1024xf32>
    %add3A_49 = arith.addf %get3A_44, %slice3A : vector<1x1024xf32>
    %swap3A_50 = arith.constant 0 : index
    %swap3A_51 = arith.constant 0 : index
    %swap3A_52 = vector.load %arg7[%swap3A_50, %swap3A_51] : memref<1x1024xf32, #tpu.memory_space<vmem>>, vector<1x1024xf32>
    tpu.vector_store %arg7[%swap3A_50, %swap3A_51], %add3A_49 {strides = array<i32>} : memref<1x1024xf32, #tpu.memory_space<vmem>>, vector<1x1024xf32>,
    %get3A_53 = arith.constant 0 : index
    %get3A_54 = arith.constant 0 : index
    %get3A_55 = memref.load %arg8[%get3A_53, %get3A_54] : memref<1x1xf32, #tpu.memory_space<smem>>
    %squeeze3A = vector.shape_cast %broadcast_in_dim3A_20 : vector<1024x1xf32> to vector<1024xf32>
    %mul3A_56 = arith.mulf %get3A_41, %squeeze3A : vector<1024xf32>
    %reduce_sum3A_57 = vector.shape_cast %mul3A_56 : vector<1024xf32> to vector<1x1024xf32>
    %reduce_sum3A_58 = arith.constant dense<0.000000e+00> : vector<1xf32>
    %reduce_sum3A_59 = vector.multi_reduction <add>, %reduce_sum3A_57, %reduce_sum3A_58 [1] : vector<1x1024xf32> to vector<1xf32>
    %reduce_sum3A_60 = vector.shape_cast %reduce_sum3A_59 : vector<1xf32> to vector<1x1xf32>
    %reduce_sum3A_61 = vector.extract %reduce_sum3A_60[0, 0] : f32 from vector<1x1xf32>
    %add3A_62 = arith.addf %get3A_55, %reduce_sum3A_61 : f32
    %swap3A_63 = arith.constant 0 : index
    %swap3A_64 = arith.constant 0 : index
    %swap3A_65 = memref.load %arg8[%swap3A_63, %swap3A_64] : memref<1x1xf32, #tpu.memory_space<smem>>
    memref.store %add3A_62, %arg8[%swap3A_63, %swap3A_64] : memref<1x1xf32, #tpu.memory_space<smem>>
    %eq3A_66 = arith.constant 15 : i32
    %eq3A_67 = arith.cmpi eq, %arg0, %eq3A_66 : i32
    %convert_element_type3A_68 = arith.extui %eq3A_67 : i1 to i32
    %cond3A_69 = arith.constant 0 : i32
    %cond3A_70 = arith.cmpi ne, %convert_element_type3A_68, %cond3A_69 : i32
    scf.if %cond3A_70 {
      %get3A_71 = arith.constant 0 : index
      %get3A_72 = arith.constant 0 : index
      %get3A_73 = memref.load %arg8[%get3A_71, %get3A_72] : memref<1x1xf32, #tpu.memory_space<smem>>
      %mul3A_74 = arith.constant 1.250000e+00 : f32
      %mul3A_75 = arith.mulf %mul3A_74, %get3A_73 : f32
      %div3A = arith.constant 0x4A800000 : f32
      %div3A_76 = arith.divf %mul3A_75, %div3A : f32
      %swap3A_77 = arith.constant 0 : index
      %swap3A_78 = arith.constant 0 : index
      %swap3A_79 = memref.load %arg5[%swap3A_77, %swap3A_78] : memref<1x1xf32, #tpu.memory_space<smem>>
      memref.store %div3A_76, %arg5[%swap3A_77, %swap3A_78] : memref<1x1xf32, #tpu.memory_space<smem>>
      %get3A_80 = arith.constant 0 : index
      %get3A_81 = arith.constant 0 : index
      %get3A_82 = vector.load %arg7[%get3A_80, %get3A_81] : memref<1x1024xf32, #tpu.memory_space<vmem>>, vector<1x1024xf32>
      %mul3A_83 = arith.constant 6.10351563E-5 : f32
      %mul3A_84 = vector.broadcast %mul3A_83 : f32 to vector<1x1024xf32>
      %mul3A_85 = arith.mulf %get3A_82, %mul3A_84 : vector<1x1024xf32>
      %add3A_86 = arith.constant 1.000000e-10 : f32
      %add3A_87 = vector.broadcast %add3A_86 : f32 to vector<1x1024xf32>
      %add3A_88 = arith.addf %mul3A_85, %add3A_87 : vector<1x1024xf32>
      %log3A = math.log %add3A_88 : vector<1x1024xf32>
      %mul3A_89 = arith.mulf %mul3A_85, %log3A : vector<1x1024xf32>
      %reduce_sum3A_90 = vector.shape_cast %mul3A_89 : vector<1x1024xf32> to vector<1x1x1024xf32>
      %reduce_sum3A_91 = arith.constant dense<0.000000e+00> : vector<1xf32>
      %reduce_sum3A_92 = vector.multi_reduction <add>, %reduce_sum3A_90, %reduce_sum3A_91 [1, 2] : vector<1x1x1024xf32> to vector<1xf32>
      %reduce_sum3A_93 = vector.shape_cast %reduce_sum3A_92 : vector<1xf32> to vector<1x1x1xf32>
      %reduce_sum3A_94 = vector.extract %reduce_sum3A_93[0, 0, 0] : f32 from vector<1x1x1xf32>
      %neg3A = arith.constant 0.000000e+00 : f32
      %neg3A_95 = arith.subf %neg3A, %reduce_sum3A_94 : f32
      %exp3A = math.exp %neg3A_95 : f32
      %swap3A_96 = arith.constant 0 : index
      %swap3A_97 = arith.constant 0 : index
      %swap3A_98 = memref.load %arg6[%swap3A_96, %swap3A_97] : memref<1x1xf32, #tpu.memory_space<smem>>
      memref.store %exp3A, %arg6[%swap3A_96, %swap3A_97] : memref<1x1xf32, #tpu.memory_space<smem>>
    } else {
    }
    return
  }
  func.func @transform_0(%arg0: i32) -> (i32, i32, i32) {
    %c0_i32 = arith.constant 0 : i32
    %c0_i32_0 = arith.constant 0 : i32
    %c0_i32_1 = arith.constant 0 : i32
    return %arg0, %c0_i32, %c0_i32_0 : i32, i32, i32
  }
  func.func @transform_1(%arg0: i32) -> (i32, i32, i32) {
    %c0_i32 = arith.constant 0 : i32
    %c0_i32_0 = arith.constant 0 : i32
    %c0_i32_1 = arith.constant 0 : i32
    return %arg0, %c0_i32, %c0_i32_0 : i32, i32, i32
  }
  func.func @transform_2(%arg0: i32) -> (i32, i32) {
    %c0_i32 = arith.constant 0 : i32
    %c0_i32_0 = arith.constant 0 : i32
    %c0_i32_1 = arith.constant 0 : i32
    return %c0_i32, %c0_i32_0 : i32, i32
  }
  func.func @transform_3(%arg0: i32) -> (i32, i32, i32) {
    %c0_i32 = arith.constant 0 : i32
    %c0_i32_0 = arith.constant 0 : i32
    %c0_i32_1 = arith.constant 0 : i32
    return %arg0, %c0_i32, %c0_i32_0 : i32, i32, i32
  }
  func.func @transform_4(%arg0: i32) -> (i32, i32) {
    %c0_i32 = arith.constant 0 : i32
    %c0_i32_0 = arith.constant 0 : i32
    %c0_i32_1 = arith.constant 0 : i32
    return %c0_i32, %c0_i32_0 : i32, i32
  }
  func.func @transform_5(%arg0: i32) -> (i32, i32) {
    %c0_i32 = arith.constant 0 : i32
    %c0_i32_0 = arith.constant 0 : i32
    %c0_i32_1 = arith.constant 0 : i32
    return %c0_i32, %c0_i32_0 : i32, i32
  }
}

</mosaic_0001>

<sc_bundles>
// kernel: kernel.4.cloned.1.call-start
scs
__scs_entry_jumppad:
0x0: {  	(pc) =	sbr.rel $0x88, $3  }
0x1: {  	(tag) =	ssettag $0x0;
	lr =	simm.s32 $0x1  }
0x2: {  	[smem:$0x3F9E] =	sst lr;
	_ =	strace $0xD0000000  }
0x3: {  	_ = 	snop  }
0x4: {  	_ = 	snop  }
0x5: {  	_ = 	snop  }
0x6: {  	_ = 	snop  }
0x7: {  	_ = 	snop  }
__scs_overlays_trampoline_lowered:
0x8: {  	[smem:$0x3FAD] =	sst s0  }
0x9: {  	[smem:$0x3FAE] =	sst s1  }
0xa: {  	[smem:$0x3FAF] =	sst s2  }
0xb: {  	[smem:$0x3FB0] =	sst s3  }
0xc: {  	[smem:$0x3FB1] =	sst s4  }
0xd: {  	[smem:$0x3FB2] =	sst s5  }
0xe: {  	[smem:$0x3FB3] =	sst s6  }
0xf: {  	[smem:$0x3FB4] =	sst s7  }
0x10: {  	[smem:$0x3FB5] =	sst s8  }
0x11: {  	[smem:$0x3FB6] =	sst s9;
	s0 =	simm.s32 @!p0 $0x0  }
0x12: {  	s1 =	sld [smem:$0x3F9C];
	s0 =	simm.s32 @p0 $0x1  }
0x13: {  	[smem:$0x3FB7] =	sst s0;
	s0 =	simm.s32 @!p1 $0x0  }
0x14: {  	s2 =	sld [smem:$0x3F9B];
	s0 =	simm.s32 @p1 $0x1  }
0x15: {  	[smem:$0x3FB8] =	sst s0;
	s0 =	simm.s32 @!p2 $0x0  }
0x16: {  	s3 =	sld [smem:$0x3FDB];
	s0 =	simm.s32 @p2 $0x1  }
0x17: {  	s4 =	simm.s32 $0x1BF5;
	[smem:$0x3FBA] =	sst s0  }
0x18: {  	s0 =	sld [smem:$0x3F9D];
	_ =	swait.ge [sflag:s4], $0x0  }
0x19: {  	s7 =	sld [smem:$0x3F9E]  }
0x1a: {  	s8 =	sadd.s32 $0xFFFFE003, lr  }
0x1b: {  	s9 =	sadd.s32 $0xFFFFFEF7, lr;
	s5 =	simm.s32 $0xFFFFFFFF;
	p2 =	slt.u32 s8, $0xFFFFF086  }
0x1c: {  	p1 =	slt.u32 s9, $0xF7A;
	s5 =	simm.s32 @!p2 $0x0  }
0x1d: {  	s5 =	simm.s32 @p1 $0x1;
	p0 =	seq.s32 s7, s2  }
0x1e: {  	s7 =	smul.u32 @!p0 $0xF7A, s2;
	p2 =	seq.s32 @!p0 s5, $0x0  }
0x1f: {  	s9 =	smul.u32 $0xF7A, s1;
	s8 =	simm.s32 @!p0 $0x1BF5;
	p2 =	por !p2, p0  }
0x20: {  	[sflag:s8] =	ssyncset.s32 @!p0 $0xFFFFF086;
	s6 =	sadd.s32 @!p0 s3, s7;
	s7 =	simm.s32 @!p0 $0x108  }
0x21: {  	s3 =	sadd.s32 s3, s9;
	s6 =	sadd.s32 @!p0 $0x88, s6;
	s7 =	simm.s32 @p2 $0x1082  }
0x22: {  	[simem:s7], [sflag:s8] =	dma.local @!p0 [hbm:s6], $0xF7A  }
0x23: {  	s9 =	sor.u32 $0xD0000000, s2;
	s6 =	simm.s32 $0x108;
	_ =	swait.ge @!p0 [sflag:s8], $0x0  }
0x24: {  	s3 =	sadd.s32 $0x88, s3;
	s6 =	simm.s32 @!p1 $0x1082;
	[sflag:s4] =	ssyncset.s32 $0xFFFFF086  }
0x25: {  	[simem:s6], [sflag:s4] =	dma.local [hbm:s3], $0xF7A  }
0x26: {  	[smem:$0x3F9E] =	sst s1;
	(tag) =	ssettag s2;
	_ =	strace s9  }
0x27: {  	s1 =	sld [smem:$0x3FAE]  }
0x28: {  	s2 =	sld [smem:$0x3FAF]  }
0x29: {  	s4 =	sld [smem:$0x3FB1]  }
0x2a: {  	p0 =	seq.s32 s5, $0x0;
	s5 =	sld [smem:$0x3FB2]  }
0x2b: {  	s6 =	sld [smem:$0x3FB3]  }
0x2c: {  	s7 =	sld [smem:$0x3FB4]  }
0x2d: {  	s3 =	simm.s32 $0x108;
	s8 =	sld [smem:$0x3FB5]  }
0x2e: {  	s3 =	simm.s32 @!p0 $0x1082;
	s9 =	sld [smem:$0x3FB6]  }
0x2f: {  	lr =	sadd.s32 s0, s3;
	s0 =	sld [smem:$0x3FAD]  }
0x30: {  	s3 =	sld [smem:$0x3FB0]  }
0x31: {  	[smem:$0x3FB9] =	sst s10  }
0x32: {  	s10 =	sld [smem:$0x3FB7];
	_ =	sdelay $0x3  }
0x33: {  	p0 =	seq.s32 s10, $0x1;
	s10 =	sld [smem:$0x3FB9];
	_ =	sdelay $0x3  }
0x34: {  	[smem:$0x3FB9] =	sst s10  }
0x35: {  	s10 =	sld [smem:$0x3FB8];
	_ =	sdelay $0x3  }
0x36: {  	p1 =	seq.s32 s10, $0x1;
	s10 =	sld [smem:$0x3FB9];
	_ =	sdelay $0x3  }
0x37: {  	[smem:$0x3FB9] =	sst s10  }
0x38: {  	s10 =	sld [smem:$0x3FBA]  }
0x39: {  	_ = 	snop;
	(pc) =	sbr.ind lr, $3  }
0x3a: {  	_ = 	snop  }
0x3b: {  	_ = 	snop  }
0x3c: {  	p2 =	seq.s32 s10, $0x1;
	s10 =	sld [smem:$0x3FB9]  }
0x3d: {  	_ =	shalt  }
0x3e: {  	_ =	shalt  }
0x3f: {  	_ =	shalt  }
0x40: {  	_ =	shalt  }
0x41: {  	_ =	shalt  }
0x42: {  	_ =	shalt  }
0x43: {  	_ =	shalt  }
0x44: {  	_ =	shalt  }
0x45: {  	_ =	shalt  }
0x46: {  	_ =	shalt  }
0x47: {  	_ =	shalt  }
0x48: {  	_ =	shalt  }
0x49: {  	_ =	shalt  }
0x4a: {  	_ =	shalt  }
0x4b: {  	_ =	shalt  }
0x4c: {  	_ =	shalt  }
0x4d: {  	_ =	shalt  }
0x4e: {  	_ =	shalt  }
0x4f: {  	_ =	shalt  }
0x50: {  	_ =	shalt  }
0x51: {  	_ =	shalt  }
0x52: {  	_ =	shalt  }
0x53: {  	_ =	shalt  }
0x54: {  	_ =	shalt  }
0x55: {  	_ =	shalt  }
0x56: {  	_ =	shalt  }
0x57: {  	_ =	shalt  }
0x58: {  	_ =	shalt  }
0x59: {  	_ =	shalt  }
0x5a: {  	_ =	shalt  }
0x5b: {  	_ =	shalt  }
0x5c: {  	_ =	shalt  }
0x5d: {  	_ =	shalt  }
0x5e: {  	_ =	shalt  }
0x5f: {  	_ =	shalt  }
0x60: {  	_ =	shalt  }
0x61: {  	_ =	shalt  }
0x62: {  	_ =	shalt  }
0x63: {  	_ =	shalt  }
0x64: {  	_ =	shalt  }
0x65: {  	_ =	shalt  }
0x66: {  	_ =	shalt  }
0x67: {  	_ =	shalt  }
0x68: {  	_ =	shalt  }
0x69: {  	_ =	shalt  }
0x6a: {  	_ =	shalt  }
0x6b: {  	_ =	shalt  }
0x6c: {  	_ =	shalt  }
0x6d: {  	_ =	shalt  }
0x6e: {  	_ =	shalt  }
0x6f: {  	_ =	shalt  }
0x70: {  	_ =	shalt  }
0x71: {  	_ =	shalt  }
0x72: {  	_ =	shalt  }
0x73: {  	_ =	shalt  }
0x74: {  	_ =	shalt  }
0x75: {  	_ =	shalt  }
0x76: {  	_ =	shalt  }
0x77: {  	_ =	shalt  }
0x78: {  	_ =	shalt  }
0x79: {  	_ =	shalt  }
0x7a: {  	_ =	shalt  }
0x7b: {  	_ =	shalt  }
0x7c: {  	_ =	shalt  }
0x7d: {  	_ =	shalt  }
0x7e: {  	_ =	shalt  }
0x7f: {  	_ =	shalt  }
0x80: {  	_ =	shalt  }
0x81: {  	_ =	shalt  }
0x82: {  	_ =	shalt  }
0x83: {  	_ =	shalt  }
0x84: {  	_ =	shalt  }
0x85: {  	_ =	shalt  }
0x86: {  	_ =	shalt  }
0x87: {  	_ =	shalt  }
.Lfunc_end0:
.L_simem_size_0:
called_computation_lowered:
.L_overlay_start_0:
0x88: {  	s2 =	sld [smem:$0x3FD9]  }
0x89: {  	s3 =	sld [smem:$0x3FFE];
	_ =	sdelay $0x1  }
0x8a: {  	s1 =	srdreg.scid  }
0x8b: {  	s0 =	sand.u32 $0x1, s1  }
0x8c: {  	s15 =	sshll.u32 s0, $0xA;
	s2 =	sadd.s32 s3, s2  }
0x8d: {  	s2 =	sadd.s32 s2, s15  }
0x8e: {  	[smem:$0x3FC5] =	sst s2  }
0x8f: {  	_ = 	snop  }
0x90: {  	s2 =	sld [smem:$0x3FD0];
	_ =	sdelay $0x2  }
0x91: {  	s4 =	simm.s32 $0xA;
	s5 =	simm.s32 $0x10;
	s16 =	sld [smem:$0x3FC7]  }
0x92: {  	[smem:s5], [sflag:s4] =	dma.local [hbm:s2], $0x1  }
0x93: {  	_ =	swait.eq [sflag:s4], $0x1  }
0x94: {  	[sflag:s4] =	ssyncset.done $0x0  }
0x95: {  	s17 =	sld [smem:$0x10];
	[sflag:s4] =	ssyncadd.s32 $0xFFFFFFFF  }
0x96: {  	s18 =	sld [smem:$0x11];
	(tm) =	ssettm $0x1  }
0x97: {  	s19 =	sld [smem:$0x3FFB];
	_ =	sdelay $0x3  }
0x98: {  	_ =	strace s19  }
0x99: {  	s5 =	sld [smem:$0x3FFC];
	_ =	sdelay $0x3  }
0x9a: {  	_ =	strace s5  }
0x9b: {  	s5 =	sld [smem:$0x3FFD];
	_ =	sdelay $0x3  }
0x9c: {  	_ =	strace s5  }
0x9d: {  	_ =	strace $0x8FFFFFFF  }
0x9e: {  	s20 =	sld [smem:$0x3FDB];
	_ =	sdelay $0x1  }
0x9f: {  	s6 =	simm.s32 $_scs_section_size  }
0xa0: {  	s7 =	simm.s32 $_size__tile_overlayer_lowered;
	s8 =	simm.s32 $_tile_overlayer_lowered  }
0xa1: {  	s23 =	simm.s32 $0x1BFF;
	s22 =	sshll.u32 s8, $0x1;
	s5 =	sadd.s32 s6, s20  }
0xa2: {  	s9 =	simm.s32 $0x0;
	s21 =	sshll.u32 s7, $0x1;
	s7 =	sadd.s32 s22, s5  }
0xa3: {  	[timem:s9], [sflag:s23] =	dma.local [hbm:s7], s21  }
0xa4: {  	_ =	swait.ge [sflag:s23], s21  }
0xa5: {  	s6 =	ssub.s32 $0x0, s21;
	[sflag:s23] =	ssyncset.done $0x0  }
0xa6: {  	[sflag:s23] =	ssyncadd.s32 s6;
	_ =	sdelay $0x1  }
0xa7: {  	s24 =	simm.s32 $0x1B8B  }
0xa8: {  	_ =	swait.ge [sflag:s24], $0x1  }
0xa9: {  	[sflag:s24] =	ssyncset.done $0x0  }
0xaa: {  	s25 =	simm.s32 $0x1B8E;
	[sflag:s24] =	ssyncadd.s32 $0xFFFFFFFF  }
0xab: {  	s26 =	simm.s32 $execute0_lowered;
	[smem:$0x3FD2] =	sst s25  }
0xac: {  	s6 =	sshll.u32 s26, $0x1;
	_ =	strace $0x80000046;
	[dreg:$0x1] =	wrdreg $0xFFFFFFFF  }
0xad: {  	s28 =	simm.s32 $_size_execute0_lowered;
	s5 =	sadd.s32 s5, s6;
	[dreg:$0x0] =	wrdreg $0x0  }
0xae: {  	s6 =	sshll.u32 s28, $0x1;
	[dreg:$0x2] =	wrdreg s5  }
0xaf: {  	[dreg:$0x3] =	wrdreg s6  }
0xb0: {  	[dreg:$0x4] =	wrdreg $0xC0  }
0xb1: {  	_ =	task [dreg:s9], $0x5FFFF  }
0xb2: {  	[dreg:$0x1] =	wrdreg $0xFFFFFFFF  }
0xb3: {  	[dreg:$0x0] =	wrdreg $0x60  }
0xb4: {  	[dreg:$0x2] =	wrdreg s16  }
0xb5: {  	[dreg:$0x3] =	wrdreg s18  }
0xb6: {  	[dreg:$0x4] =	wrdreg s17  }
0xb7: {  	[dreg:$0x5] =	wrdreg $0x9  }
0xb8: {  	_ =	task.clear_ibuf [dreg:s9], $0x6FFFF;
	_ =	strace $0x90000046  }
0xb9: {  	s29 =	simm.s32 $0x9;
	_ =	strace $0x80000048  }
0xba: {  	_ =	swait.ge [sflag:s29], $0x1  }
0xbb: {  	[sflag:s29] =	ssyncadd.s32 $0xFFFFFFFF  }
0xbc: {  	_ =	strace $0x90000048  }
0xbd: {  	_ =	sfence  }
0xbe: {  	s30 =	sld [smem:$0x0];
	_ =	sdelay $0x2  }
0xbf: {  	s31 =	sshll.u32 s1, $0xD;
	s1 =	sshrl.u32 s1, $0x2  }
0xc0: {  	s3 =	sand.u32 $0x4000, s31;
	s1 =	sadd.s32 s1, s30  }
0xc1: {  	s0 =	sor.u32 s3, s0;
	s1 =	sshll.u32 s1, $0x11  }
0xc2: {  	s0 =	sor.u32 s1, s0  }
0xc3: {  	s0 =	sadd.s32 $0x8F2B, s0  }
0xc4: {  	[sflag:s0] =	ssyncadd.remote.s32 $0x1  }
0xc5: {  	_ =	sfence.sel $0xFFFF  }
0xc6: {  	[dreg:$0x0] =	wrdreg $0xFFFFFFFF;
	(pc) =	sbr.abs _section_cstart, $3  }
0xc7: {  	[dreg:$0x1] =	wrdreg $0xFFFFFFFF  }
0xc8: {  	_ =	task.clear_ibuf [dreg:s9], $0x2FFFF;
	_ =	strace $0x9FFFFFFF  }
0xc9: {  	(tm) =	ssettm $0x7FFFFFFF  }
tec
execute0_lowered:
.L_overlay_start_1:
0x0: {  	(tag) =	ssettag $0x1  }
0x1: {  	s1 =	rddreg [dreg:$0x0]  }
0x2: {  	s4 =	rddreg [dreg:$0x1]  }
0x3: {  	s5 =	rddreg [dreg:$0x2];
	s3 =	simm.s32 $0x0  }
0x4: {  	s18 =	simm.s32 $0x8A00;
	[smem:$0x7FF] =	sst s3  }
0x5: {  	s19 =	simm.s32 $0x9200;
	_ =	strace $0x80000047;
	[dreg:$0x8] =	wrdreg s18  }
0x6: {  	s20 =	simm.s32 $0x9A00;
	[dreg:$0x9] =	wrdreg s19  }
0x7: {  	s2 =	srdreg.scid;
	s21 =	simm.s32 $0xA200;
	[dreg:$0xa] =	wrdreg s20  }
0x8: {  	s0 =	stileid.u32;
	s22 =	simm.s32 $0xAA00;
	[dreg:$0xb] =	wrdreg s21  }
0x9: {  	s23 =	simm.s32 $0xB200;
	s24 =	simm.s32 $0xBA00;
	[dreg:$0xc] =	wrdreg s22  }
0xa: {  	s25 =	simm.s32 $0xC200;
	s8 =	simm.s32 $0xDA00;
	[dreg:$0xd] =	wrdreg s23  }
0xb: {  	s9 =	simm.s32 $0xE200;
	s10 =	simm.s32 $0xEA00;
	[dreg:$0xe] =	wrdreg s24  }
0xc: {  	s6 =	sshll.u32 s0, $0xA;
	s0 =	simm.s32 $0xCA00;
	[dreg:$0xf] =	wrdreg s25  }
0xd: {  	s11 =	simm.s32 $0xF200;
	s12 =	simm.s32 $0xFA00;
	[dreg:$0x10] =	wrdreg s0  }
0xe: {  	s13 =	simm.s32 $0x10A00;
	s14 =	simm.s32 $0x11200;
	[dreg:$0x12] =	wrdreg s8  }
0xf: {  	s15 =	simm.s32 $0x11A00;
	s28 =	simm.s32 $0x4;
	[dreg:$0x13] =	wrdreg s9  }
0x10: {  	s29 =	simm.s32 $0x2;
	s30 =	simm.s32 $0x3;
	[dreg:$0x14] =	wrdreg s10  }
0x11: {  	s31 =	simm.s32 $0x5;
	s2 =	sand.u32 $0x1, s2;
	[dreg:$0x15] =	wrdreg s11  }
0x12: {  	s7 =	sshll.u32 s2, $0x9;
	s2 =	ssub.s32 $0x2, s2;
	[dreg:$0x16] =	wrdreg s12  }
0x13: {  	s8 =	simm.s32 $0xA00;
	s9 =	simm.s32 $0x1200;
	[dreg:$0x17] =	wrdreg s13  }
0x14: {  	s10 =	simm.s32 $0x1A00;
	s11 =	simm.s32 $0x2200;
	[dreg:$0x18] =	wrdreg s14  }
0x15: {  	s12 =	simm.s32 $0x2A00;
	s13 =	simm.s32 $0x3200;
	[dreg:$0x19] =	wrdreg s15  }
0x16: {  	s14 =	simm.s32 $0x3A00;
	s15 =	simm.s32 $0x4200;
	s18 =	simm.s32 $0x13200  }
0x17: {  	s19 =	simm.s32 $0x13A00;
	s20 =	simm.s32 $0x14200;
	[dreg:$0x1c] =	wrdreg s18  }
0x18: {  	s21 =	simm.s32 $0x14A00;
	s22 =	simm.s32 $0x15200;
	[dreg:$0x1d] =	wrdreg s19  }
0x19: {  	s23 =	simm.s32 $0x15A00;
	s24 =	simm.s32 $0x16200;
	[dreg:$0x1e] =	wrdreg s20  }
0x1a: {  	s25 =	simm.s32 $0x16A00;
	s6 =	sor.u32 s7, s6;
	[dreg:$0x1f] =	wrdreg s21  }
0x1b: {  	s26 =	sshrl.u32 s2, $0x1;
	s18 =	simm.s32 $0x5A00;
	[smem:$0x7F9] =	sst s22  }
0x1c: {  	s19 =	simm.s32 $0x6200;
	s20 =	simm.s32 $0x6A00;
	[smem:$0x7FA] =	sst s23  }
0x1d: {  	s21 =	simm.s32 $0x7200;
	s22 =	simm.s32 $0x7A00;
	[smem:$0x7FB] =	sst s24  }
0x1e: {  	s23 =	simm.s32 $0x8200;
	[smem:$0x7FC] =	sst s25;
	s7 =	sshrl.u32 s6, $0x3  }
0x1f: {  	s6 =	sshll.u32 s6, $0x5;
	s2 =	ssub.s32 s2, s26;
	s26 =	simm.s32 $0x17200  }
0x20: {  	s7 =	sadd.s32 s4, s7;
	s4 =	sadd.s32 s5, s6;
	[smem:$0x7FD] =	sst s26  }
0x21: {  	s24 =	simm.s32 $0x10200;
	[dreg:$0x4] =	wrdreg s7;
	s5 =	sadd.s32 $0x1000, s4  }
0x22: {  	s6 =	simm.s32 $0x7;
	s16 =	sadd.s32 $0x2000, s4;
	[dreg:$0x5] =	wrdreg s5  }
0x23: {  	s26 =	simm.s32 $0x1;
	s17 =	sadd.s32 $0x3000, s4;
	[dreg:$0x6] =	wrdreg s16  }
0x24: {  	s7 =	simm.s32 $0xD200;
	[dreg:$0x7] =	wrdreg s17;
	s5 =	smax.u32 s2, $0x1  }
0x25: {  	v2 =	vlaneseq.u32;
	[dreg:$0x11] =	wrdreg s7;
	s7 =	simm.s32 $0x200;
	s16 =	simm.s32 $0x12200  }
0x26: {  	vm0 =	vmmov $0xffff;
	v1 =	vshrl.u32 v2, $0x3;
	s17 =	simm.s32 $0x12A00;
	s2 =	simm.s32 $0x6;
	[dreg:$0x1a] =	wrdreg s16  }
0x27: {  	v0 =	vand.u32 $0x7, v2;
	v2 =	vor.u32 $0x8, v2;
	v1 =	vmul.u32 $0x8, v1;
	[dreg:$0x1b] =	wrdreg s17;
	s16 =	simm.s32 $0x4A00;
	s17 =	simm.s32 $0x5200  }
.LBB2_1:
0x28: {  	s0 =	rddreg [dreg:$0x4]  }
0x29: {  	[tilespmem:s3], [sflag:$0x7] =	stream.linear.gather [hbm4b:s0+s3], $0x200, $0x38;
	[tilespmem:$0x18200] =	vst v63  }
0x2a: {  	_ =	swait.ge [sflag:s6], $0x200  }
0x2b: {  	[sflag:s6] =	ssyncset.done $0x0  }
0x2c: {  	[sflag:s6] =	ssyncadd.s32 $0xFFFFFE00  }
0x2d: {  	v3 =	vld [tilespmem:$0x0];
	_ =	sdelay $0x4  }
0x2e: {  	v4 =	vshll.u32 v3, $0x1  }
0x2f: {  	v3 =	vand.u32 $0x7, v3;
	v4 =	vand.u32 $0xFFFFFFF0, v4  }
0x30: {  	v3 =	vor.u32 v3, v4  }
0x31: {  	v4 =	vperm.xlane v3, v0;
	_ =	sdelay $0x1  }
0x32: {  	v3 =	vperm.xlane v3, v2;
	v4 =	vadd.s32 v1, v4;
	_ =	sdelay $0x1  }
0x33: {  	v3 =	vadd.s32 v1, v3;
	_ =	sdelay $0x2  }
0x34: {  	[tilespmem:s7], [sflag:$0x1] =	stream.indirect_vreg.gather [hbm4b:s1+s3], $0x80, v4, vm0, $0xb8;
	[tilespmem:$0x18200] =	vst v63  }
0x35: {  	_ = 	snop  }
0x36: {  	[tilespmem:s8], [sflag:$0x1] =	stream.indirect_vreg.gather [hbm4b:s1+s3], $0x80, v3, vm0, $0xb8;
	[tilespmem:$0x18200] =	vst v63  }
0x37: {  	v3 =	vld [tilespmem:$0x10];
	_ =	sdelay $0x4  }
0x38: {  	v33 =	vshll.u32 v3, $0x1  }
0x39: {  	v3 =	vand.u32 $0x7, v3;
	v4 =	vand.u32 $0xFFFFFFF0, v33  }
0x3a: {  	v3 =	vor.u32 v3, v4  }
0x3b: {  	v4 =	vperm.xlane v3, v0;
	_ =	sdelay $0x1  }
0x3c: {  	v3 =	vperm.xlane v3, v2;
	v4 =	vadd.s32 v1, v4;
	_ =	sdelay $0x1  }
0x3d: {  	v3 =	vadd.s32 v1, v3;
	_ =	sdelay $0x2  }
0x3e: {  	[tilespmem:s9], [sflag:$0x1] =	stream.indirect_vreg.gather [hbm4b:s1+s3], $0x80, v4, vm0, $0xb8;
	[tilespmem:$0x18200] =	vst v63  }
0x3f: {  	_ = 	snop  }
0x40: {  	[tilespmem:s10], [sflag:$0x1] =	stream.indirect_vreg.gather [hbm4b:s1+s3], $0x80, v3, vm0, $0xb8;
	[tilespmem:$0x18200] =	vst v63  }
0x41: {  	v3 =	vld [tilespmem:$0x20];
	_ =	sdelay $0x4  }
0x42: {  	v34 =	vshll.u32 v3, $0x1  }
0x43: {  	v3 =	vand.u32 $0x7, v3;
	v4 =	vand.u32 $0xFFFFFFF0, v34  }
0x44: {  	v3 =	vor.u32 v3, v4  }
0x45: {  	v4 =	vperm.xlane v3, v0;
	_ =	sdelay $0x1  }
0x46: {  	v3 =	vperm.xlane v3, v2;
	v4 =	vadd.s32 v1, v4;
	_ =	sdelay $0x1  }
0x47: {  	v3 =	vadd.s32 v1, v3;
	_ =	sdelay $0x2  }
0x48: {  	[tilespmem:s11], [sflag:$0x1] =	stream.indirect_vreg.gather [hbm4b:s1+s3], $0x80, v4, vm0, $0xb8;
	[tilespmem:$0x18200] =	vst v63  }
0x49: {  	_ = 	snop  }
0x4a: {  	[tilespmem:s12], [sflag:$0x1] =	stream.indirect_vreg.gather [hbm4b:s1+s3], $0x80, v3, vm0, $0xb8;
	[tilespmem:$0x18200] =	vst v63  }
0x4b: {  	v3 =	vld [tilespmem:$0x30];
	_ =	sdelay $0x4  }
0x4c: {  	v35 =	vshll.u32 v3, $0x1  }
0x4d: {  	v3 =	vand.u32 $0x7, v3;
	v4 =	vand.u32 $0xFFFFFFF0, v35  }
0x4e: {  	v3 =	vor.u32 v3, v4  }
0x4f: {  	v4 =	vperm.xlane v3, v0;
	_ =	sdelay $0x1  }
0x50: {  	v3 =	vperm.xlane v3, v2;
	v4 =	vadd.s32 v1, v4;
	_ =	sdelay $0x1  }
0x51: {  	v3 =	vadd.s32 v1, v3;
	_ =	sdelay $0x2  }
0x52: {  	[tilespmem:s13], [sflag:$0x1] =	stream.indirect_vreg.gather [hbm4b:s1+s3], $0x80, v4, vm0, $0xb8;
	[tilespmem:$0x18200] =	vst v63  }
0x53: {  	_ = 	snop  }
0x54: {  	[tilespmem:s14], [sflag:$0x1] =	stream.indirect_vreg.gather [hbm4b:s1+s3], $0x80, v3, vm0, $0xb8;
	[tilespmem:$0x18200] =	vst v63  }
0x55: {  	v3 =	vld [tilespmem:$0x40];
	_ =	sdelay $0x4  }
0x56: {  	v36 =	vshll.u32 v3, $0x1  }
0x57: {  	v3 =	vand.u32 $0x7, v3;
	v4 =	vand.u32 $0xFFFFFFF0, v36  }
0x58: {  	v3 =	vor.u32 v3, v4  }
0x59: {  	v4 =	vperm.xlane v3, v0;
	_ =	sdelay $0x1  }
0x5a: {  	v3 =	vperm.xlane v3, v2;
	v4 =	vadd.s32 v1, v4;
	_ =	sdelay $0x1  }
0x5b: {  	v3 =	vadd.s32 v1, v3;
	_ =	sdelay $0x2  }
0x5c: {  	[tilespmem:s15], [sflag:$0x1] =	stream.indirect_vreg.gather [hbm4b:s1+s3], $0x80, v4, vm0, $0xb8;
	[tilespmem:$0x18200] =	vst v63  }
0x5d: {  	_ = 	snop  }
0x5e: {  	[tilespmem:s16], [sflag:$0x1] =	stream.indirect_vreg.gather [hbm4b:s1+s3], $0x80, v3, vm0, $0xb8;
	[tilespmem:$0x18200] =	vst v63  }
0x5f: {  	v3 =	vld [tilespmem:$0x50];
	_ =	sdelay $0x4  }
0x60: {  	v37 =	vshll.u32 v3, $0x1  }
0x61: {  	v3 =	vand.u32 $0x7, v3;
	v4 =	vand.u32 $0xFFFFFFF0, v37  }
0x62: {  	v3 =	vor.u32 v3, v4  }
0x63: {  	v4 =	vperm.xlane v3, v0;
	_ =	sdelay $0x1  }
0x64: {  	v3 =	vperm.xlane v3, v2;
	v4 =	vadd.s32 v1, v4;
	_ =	sdelay $0x1  }
0x65: {  	v3 =	vadd.s32 v1, v3;
	_ =	sdelay $0x2  }
0x66: {  	[tilespmem:s17], [sflag:$0x1] =	stream.indirect_vreg.gather [hbm4b:s1+s3], $0x80, v4, vm0, $0xb8;
	[tilespmem:$0x18200] =	vst v63  }
0x67: {  	_ = 	snop  }
0x68: {  	[tilespmem:s18], [sflag:$0x1] =	stream.indirect_vreg.gather [hbm4b:s1+s3], $0x80, v3, vm0, $0xb8;
	[tilespmem:$0x18200] =	vst v63  }
0x69: {  	v3 =	vld [tilespmem:$0x60];
	_ =	sdelay $0x4  }
0x6a: {  	v38 =	vshll.u32 v3, $0x1  }
0x6b: {  	v3 =	vand.u32 $0x7, v3;
	v4 =	vand.u32 $0xFFFFFFF0, v38  }
0x6c: {  	v3 =	vor.u32 v3, v4  }
0x6d: {  	v4 =	vperm.xlane v3, v0;
	_ =	sdelay $0x1  }
0x6e: {  	v3 =	vperm.xlane v3, v2;
	v4 =	vadd.s32 v1, v4;
	_ =	sdelay $0x1  }
0x6f: {  	v3 =	vadd.s32 v1, v3;
	_ =	sdelay $0x2  }
0x70: {  	[tilespmem:s19], [sflag:$0x1] =	stream.indirect_vreg.gather [hbm4b:s1+s3], $0x80, v4, vm0, $0xb8;
	[tilespmem:$0x18200] =	vst v63  }
0x71: {  	_ = 	snop  }
0x72: {  	[tilespmem:s20], [sflag:$0x1] =	stream.indirect_vreg.gather [hbm4b:s1+s3], $0x80, v3, vm0, $0xb8;
	[tilespmem:$0x18200] =	vst v63  }
0x73: {  	v3 =	vld [tilespmem:$0x70];
	_ =	sdelay $0x4  }
0x74: {  	v39 =	vshll.u32 v3, $0x1  }
0x75: {  	v3 =	vand.u32 $0x7, v3;
	v4 =	vand.u32 $0xFFFFFFF0, v39  }
0x76: {  	v3 =	vor.u32 v3, v4  }
0x77: {  	v4 =	vperm.xlane v3, v0;
	_ =	sdelay $0x1  }
0x78: {  	v3 =	vperm.xlane v3, v2;
	v4 =	vadd.s32 v1, v4;
	_ =	sdelay $0x1  }
0x79: {  	v3 =	vadd.s32 v1, v3;
	_ =	sdelay $0x2  }
0x7a: {  	[tilespmem:s21], [sflag:$0x1] =	stream.indirect_vreg.gather [hbm4b:s1+s3], $0x80, v4, vm0, $0xb8;
	[tilespmem:$0x18200] =	vst v63  }
0x7b: {  	_ = 	snop  }
0x7c: {  	[tilespmem:s22], [sflag:$0x1] =	stream.indirect_vreg.gather [hbm4b:s1+s3], $0x80, v3, vm0, $0xb8;
	[tilespmem:$0x18200] =	vst v63  }
0x7d: {  	v3 =	vld [tilespmem:$0x80];
	_ =	sdelay $0x4  }
0x7e: {  	v40 =	vshll.u32 v3, $0x1  }
0x7f: {  	v3 =	vand.u32 $0x7, v3;
	v4 =	vand.u32 $0xFFFFFFF0, v40  }
0x80: {  	v3 =	vor.u32 v3, v4  }
0x81: {  	v4 =	vperm.xlane v3, v0;
	_ =	sdelay $0x1  }
0x82: {  	v3 =	vperm.xlane v3, v2;
	v4 =	vadd.s32 v1, v4;
	_ =	sdelay $0x1  }
0x83: {  	v3 =	vadd.s32 v1, v3;
	_ =	sdelay $0x2  }
0x84: {  	[tilespmem:s23], [sflag:$0x2] =	stream.indirect_vreg.gather [hbm4b:s1+s3], $0x80, v4, vm0, $0xb8;
	[tilespmem:$0x18200] =	vst v63  }
0x85: {  	s25 =	rddreg [dreg:$0x8]  }
0x86: {  	[tilespmem:s25], [sflag:$0x2] =	stream.indirect_vreg.gather [hbm4b:s1+s3], $0x80, v3, vm0, $0xb8;
	[tilespmem:$0x18200] =	vst v63  }
0x87: {  	v3 =	vld [tilespmem:$0x90];
	_ =	sdelay $0x4  }
0x88: {  	v41 =	vshll.u32 v3, $0x1  }
0x89: {  	v3 =	vand.u32 $0x7, v3;
	v4 =	vand.u32 $0xFFFFFFF0, v41  }
0x8a: {  	v3 =	vor.u32 v3, v4  }
0x8b: {  	v4 =	vperm.xlane v3, v0;
	_ =	sdelay $0x1  }
0x8c: {  	v3 =	vperm.xlane v3, v2;
	v4 =	vadd.s32 v1, v4;
	_ =	sdelay $0x1  }
0x8d: {  	v3 =	vadd.s32 v1, v3;
	_ =	sdelay $0x1  }
0x8e: {  	s0 =	rddreg [dreg:$0x9]  }
0x8f: {  	[tilespmem:s0], [sflag:$0x2] =	stream.indirect_vreg.gather [hbm4b:s1+s3], $0x80, v4, vm0, $0xb8;
	[tilespmem:$0x18200] =	vst v63  }
0x90: {  	s25 =	rddreg [dreg:$0xa]  }
0x91: {  	[tilespmem:s25], [sflag:$0x2] =	stream.indirect_vreg.gather [hbm4b:s1+s3], $0x80, v3, vm0, $0xb8;
	[tilespmem:$0x18200] =	vst v63  }
0x92: {  	v3 =	vld [tilespmem:$0xA0];
	_ =	sdelay $0x4  }
0x93: {  	v42 =	vshll.u32 v3, $0x1  }
0x94: {  	v3 =	vand.u32 $0x7, v3;
	v4 =	vand.u32 $0xFFFFFFF0, v42  }
0x95: {  	v3 =	vor.u32 v3, v4  }
0x96: {  	v4 =	vperm.xlane v3, v0;
	_ =	sdelay $0x1  }
0x97: {  	v3 =	vperm.xlane v3, v2;
	v4 =	vadd.s32 v1, v4;
	_ =	sdelay $0x1  }
0x98: {  	v3 =	vadd.s32 v1, v3;
	_ =	sdelay $0x1  }
0x99: {  	s0 =	rddreg [dreg:$0xb]  }
0x9a: {  	[tilespmem:s0], [sflag:$0x2] =	stream.indirect_vreg.gather [hbm4b:s1+s3], $0x80, v4, vm0, $0xb8;
	[tilespmem:$0x18200] =	vst v63  }
0x9b: {  	s25 =	rddreg [dreg:$0xc]  }
0x9c: {  	[tilespmem:s25], [sflag:$0x2] =	stream.indirect_vreg.gather [hbm4b:s1+s3], $0x80, v3, vm0, $0xb8;
	[tilespmem:$0x18200] =	vst v63  }
0x9d: {  	v3 =	vld [tilespmem:$0xB0];
	_ =	sdelay $0x4  }
0x9e: {  	v43 =	vshll.u32 v3, $0x1  }
0x9f: {  	v3 =	vand.u32 $0x7, v3;
	v4 =	vand.u32 $0xFFFFFFF0, v43  }
0xa0: {  	v3 =	vor.u32 v3, v4  }
0xa1: {  	v4 =	vperm.xlane v3, v0;
	_ =	sdelay $0x1  }
0xa2: {  	v3 =	vperm.xlane v3, v2;
	v4 =	vadd.s32 v1, v4;
	_ =	sdelay $0x1  }
0xa3: {  	v3 =	vadd.s32 v1, v3;
	_ =	sdelay $0x1  }
0xa4: {  	s0 =	rddreg [dreg:$0xd]  }
0xa5: {  	[tilespmem:s0], [sflag:$0x2] =	stream.indirect_vreg.gather [hbm4b:s1+s3], $0x80, v4, vm0, $0xb8;
	[tilespmem:$0x18200] =	vst v63  }
0xa6: {  	s25 =	rddreg [dreg:$0xe]  }
0xa7: {  	[tilespmem:s25], [sflag:$0x2] =	stream.indirect_vreg.gather [hbm4b:s1+s3], $0x80, v3, vm0, $0xb8;
	[tilespmem:$0x18200] =	vst v63  }
0xa8: {  	v3 =	vld [tilespmem:$0xC0];
	_ =	sdelay $0x4  }
0xa9: {  	v44 =	vshll.u32 v3, $0x1  }
0xaa: {  	v3 =	vand.u32 $0x7, v3;
	v4 =	vand.u32 $0xFFFFFFF0, v44  }
0xab: {  	v3 =	vor.u32 v3, v4  }
0xac: {  	v4 =	vperm.xlane v3, v0;
	_ =	sdelay $0x1  }
0xad: {  	v3 =	vperm.xlane v3, v2;
	v4 =	vadd.s32 v1, v4;
	_ =	sdelay $0x1  }
0xae: {  	v3 =	vadd.s32 v1, v3;
	_ =	sdelay $0x1  }
0xaf: {  	s0 =	rddreg [dreg:$0xf]  }
0xb0: {  	[tilespmem:s0], [sflag:$0x2] =	stream.indirect_vreg.gather [hbm4b:s1+s3], $0x80, v4, vm0, $0xb8;
	[tilespmem:$0x18200] =	vst v63  }
0xb1: {  	s25 =	rddreg [dreg:$0x10]  }
0xb2: {  	[tilespmem:s25], [sflag:$0x2] =	stream.indirect_vreg.gather [hbm4b:s1+s3], $0x80, v3, vm0, $0xb8;
	[tilespmem:$0x18200] =	vst v63  }
0xb3: {  	v3 =	vld [tilespmem:$0xD0];
	_ =	sdelay $0x4  }
0xb4: {  	v45 =	vshll.u32 v3, $0x1  }
0xb5: {  	v3 =	vand.u32 $0x7, v3;
	v4 =	vand.u32 $0xFFFFFFF0, v45  }
0xb6: {  	v3 =	vor.u32 v3, v4  }
0xb7: {  	v4 =	vperm.xlane v3, v0;
	_ =	sdelay $0x1  }
0xb8: {  	v3 =	vperm.xlane v3, v2;
	v4 =	vadd.s32 v1, v4;
	_ =	sdelay $0x1  }
0xb9: {  	v3 =	vadd.s32 v1, v3;
	_ =	sdelay $0x1  }
0xba: {  	s0 =	rddreg [dreg:$0x11]  }
0xbb: {  	[tilespmem:s0], [sflag:$0x2] =	stream.indirect_vreg.gather [hbm4b:s1+s3], $0x80, v4, vm0, $0xb8;
	[tilespmem:$0x18200] =	vst v63  }
0xbc: {  	s25 =	rddreg [dreg:$0x12]  }
0xbd: {  	[tilespmem:s25], [sflag:$0x2] =	stream.indirect_vreg.gather [hbm4b:s1+s3], $0x80, v3, vm0, $0xb8;
	[tilespmem:$0x18200] =	vst v63  }
0xbe: {  	v3 =	vld [tilespmem:$0xE0];
	_ =	sdelay $0x4  }
0xbf: {  	v46 =	vshll.u32 v3, $0x1  }
0xc0: {  	v3 =	vand.u32 $0x7, v3;
	v4 =	vand.u32 $0xFFFFFFF0, v46  }
0xc1: {  	v3 =	vor.u32 v3, v4  }
0xc2: {  	v4 =	vperm.xlane v3, v0;
	_ =	sdelay $0x1  }
0xc3: {  	v3 =	vperm.xlane v3, v2;
	v4 =	vadd.s32 v1, v4;
	_ =	sdelay $0x1  }
0xc4: {  	v3 =	vadd.s32 v1, v3;
	_ =	sdelay $0x1  }
0xc5: {  	s0 =	rddreg [dreg:$0x13]  }
0xc6: {  	[tilespmem:s0], [sflag:$0x2] =	stream.indirect_vreg.gather [hbm4b:s1+s3], $0x80, v4, vm0, $0xb8;
	[tilespmem:$0x18200] =	vst v63  }
0xc7: {  	s25 =	rddreg [dreg:$0x14]  }
0xc8: {  	[tilespmem:s25], [sflag:$0x2] =	stream.indirect_vreg.gather [hbm4b:s1+s3], $0x80, v3, vm0, $0xb8;
	[tilespmem:$0x18200] =	vst v63  }
0xc9: {  	v3 =	vld [tilespmem:$0xF0];
	_ =	sdelay $0x4  }
0xca: {  	v47 =	vshll.u32 v3, $0x1  }
0xcb: {  	v3 =	vand.u32 $0x7, v3;
	v4 =	vand.u32 $0xFFFFFFF0, v47  }
0xcc: {  	v3 =	vor.u32 v3, v4  }
0xcd: {  	v4 =	vperm.xlane v3, v0;
	_ =	sdelay $0x1  }
0xce: {  	v3 =	vperm.xlane v3, v2;
	v4 =	vadd.s32 v1, v4;
	_ =	sdelay $0x1  }
0xcf: {  	v3 =	vadd.s32 v1, v3;
	_ =	sdelay $0x1  }
0xd0: {  	s0 =	rddreg [dreg:$0x15]  }
0xd1: {  	[tilespmem:s0], [sflag:$0x2] =	stream.indirect_vreg.gather [hbm4b:s1+s3], $0x80, v4, vm0, $0xb8;
	[tilespmem:$0x18200] =	vst v63  }
0xd2: {  	s25 =	rddreg [dreg:$0x16]  }
0xd3: {  	[tilespmem:s25], [sflag:$0x2] =	stream.indirect_vreg.gather [hbm4b:s1+s3], $0x80, v3, vm0, $0xb8;
	[tilespmem:$0x18200] =	vst v63  }
0xd4: {  	v3 =	vld [tilespmem:$0x100];
	_ =	sdelay $0x4  }
0xd5: {  	v48 =	vshll.u32 v3, $0x1  }
0xd6: {  	v3 =	vand.u32 $0x7, v3;
	v4 =	vand.u32 $0xFFFFFFF0, v48  }
0xd7: {  	v3 =	vor.u32 v3, v4  }
0xd8: {  	v4 =	vperm.xlane v3, v0;
	_ =	sdelay $0x1  }
0xd9: {  	v3 =	vperm.xlane v3, v2;
	v4 =	vadd.s32 v1, v4;
	_ =	sdelay $0x1  }
0xda: {  	v3 =	vadd.s32 v1, v3;
	_ =	sdelay $0x2  }
0xdb: {  	[tilespmem:s24], [sflag:$0x3] =	stream.indirect_vreg.gather [hbm4b:s1+s3], $0x80, v4, vm0, $0xb8;
	[tilespmem:$0x18200] =	vst v63  }
0xdc: {  	s25 =	rddreg [dreg:$0x17]  }
0xdd: {  	[tilespmem:s25], [sflag:$0x3] =	stream.indirect_vreg.gather [hbm4b:s1+s3], $0x80, v3, vm0, $0xb8;
	[tilespmem:$0x18200] =	vst v63  }
0xde: {  	v3 =	vld [tilespmem:$0x110];
	_ =	sdelay $0x4  }
0xdf: {  	v49 =	vshll.u32 v3, $0x1  }
0xe0: {  	v3 =	vand.u32 $0x7, v3;
	v4 =	vand.u32 $0xFFFFFFF0, v49  }
0xe1: {  	v3 =	vor.u32 v3, v4  }
0xe2: {  	v4 =	vperm.xlane v3, v0;
	_ =	sdelay $0x1  }
0xe3: {  	v3 =	vperm.xlane v3, v2;
	v4 =	vadd.s32 v1, v4;
	_ =	sdelay $0x1  }
0xe4: {  	v3 =	vadd.s32 v1, v3;
	_ =	sdelay $0x1  }
0xe5: {  	s0 =	rddreg [dreg:$0x18]  }
0xe6: {  	[tilespmem:s0], [sflag:$0x3] =	stream.indirect_vreg.gather [hbm4b:s1+s3], $0x80, v4, vm0, $0xb8;
	[tilespmem:$0x18200] =	vst v63  }
0xe7: {  	s25 =	rddreg [dreg:$0x19]  }
0xe8: {  	[tilespmem:s25], [sflag:$0x3] =	stream.indirect_vreg.gather [hbm4b:s1+s3], $0x80, v3, vm0, $0xb8;
	[tilespmem:$0x18200] =	vst v63  }
0xe9: {  	v3 =	vld [tilespmem:$0x120];
	_ =	sdelay $0x4  }
0xea: {  	v50 =	vshll.u32 v3, $0x1  }
0xeb: {  	v3 =	vand.u32 $0x7, v3;
	v4 =	vand.u32 $0xFFFFFFF0, v50  }
0xec: {  	v3 =	vor.u32 v3, v4  }
0xed: {  	v4 =	vperm.xlane v3, v0;
	_ =	sdelay $0x1  }
0xee: {  	v3 =	vperm.xlane v3, v2;
	v4 =	vadd.s32 v1, v4;
	_ =	sdelay $0x1  }
0xef: {  	v3 =	vadd.s32 v1, v3;
	_ =	sdelay $0x1  }
0xf0: {  	s0 =	rddreg [dreg:$0x1a]  }
0xf1: {  	[tilespmem:s0], [sflag:$0x3] =	stream.indirect_vreg.gather [hbm4b:s1+s3], $0x80, v4, vm0, $0xb8;
	[tilespmem:$0x18200] =	vst v63  }
0xf2: {  	s25 =	rddreg [dreg:$0x1b]  }
0xf3: {  	[tilespmem:s25], [sflag:$0x3] =	stream.indirect_vreg.gather [hbm4b:s1+s3], $0x80, v3, vm0, $0xb8;
	[tilespmem:$0x18200] =	vst v63  }
0xf4: {  	v3 =	vld [tilespmem:$0x130];
	_ =	sdelay $0x4  }
0xf5: {  	v51 =	vshll.u32 v3, $0x1  }
0xf6: {  	v3 =	vand.u32 $0x7, v3;
	v4 =	vand.u32 $0xFFFFFFF0, v51  }
0xf7: {  	v3 =	vor.u32 v3, v4  }
0xf8: {  	v4 =	vperm.xlane v3, v0;
	_ =	sdelay $0x1  }
0xf9: {  	v3 =	vperm.xlane v3, v2;
	v4 =	vadd.s32 v1, v4;
	_ =	sdelay $0x1  }
0xfa: {  	v3 =	vadd.s32 v1, v3;
	_ =	sdelay $0x1  }
0xfb: {  	s0 =	rddreg [dreg:$0x1c]  }
0xfc: {  	[tilespmem:s0], [sflag:$0x3] =	stream.indirect_vreg.gather [hbm4b:s1+s3], $0x80, v4, vm0, $0xb8;
	[tilespmem:$0x18200] =	vst v63  }
0xfd: {  	s25 =	rddreg [dreg:$0x1d]  }
0xfe: {  	[tilespmem:s25], [sflag:$0x3] =	stream.indirect_vreg.gather [hbm4b:s1+s3], $0x80, v3, vm0, $0xb8;
	[tilespmem:$0x18200] =	vst v63  }
0xff: {  	v3 =	vld [tilespmem:$0x140];
	_ =	sdelay $0x4  }
0x100: {  	v52 =	vshll.u32 v3, $0x1  }
0x101: {  	v3 =	vand.u32 $0x7, v3;
	v4 =	vand.u32 $0xFFFFFFF0, v52  }
0x102: {  	v3 =	vor.u32 v3, v4  }
0x103: {  	v4 =	vperm.xlane v3, v0;
	_ =	sdelay $0x1  }
0x104: {  	v3 =	vperm.xlane v3, v2;
	v4 =	vadd.s32 v1, v4;
	_ =	sdelay $0x1  }
0x105: {  	v3 =	vadd.s32 v1, v3;
	_ =	sdelay $0x1  }
0x106: {  	s0 =	rddreg [dreg:$0x1e]  }
0x107: {  	[tilespmem:s0], [sflag:$0x3] =	stream.indirect_vreg.gather [hbm4b:s1+s3], $0x80, v4, vm0, $0xb8;
	[tilespmem:$0x18200] =	vst v63  }
0x108: {  	s25 =	rddreg [dreg:$0x1f]  }
0x109: {  	[tilespmem:s25], [sflag:$0x3] =	stream.indirect_vreg.gather [hbm4b:s1+s3], $0x80, v3, vm0, $0xb8;
	[tilespmem:$0x18200] =	vst v63  }
0x10a: {  	v3 =	vld [tilespmem:$0x150];
	_ =	sdelay $0x4  }
0x10b: {  	v53 =	vshll.u32 v3, $0x1  }
0x10c: {  	v3 =	vand.u32 $0x7, v3;
	v4 =	vand.u32 $0xFFFFFFF0, v53  }
0x10d: {  	v3 =	vor.u32 v3, v4  }
0x10e: {  	v4 =	vperm.xlane v3, v0;
	_ =	sdelay $0x1  }
0x10f: {  	v3 =	vperm.xlane v3, v2;
	v4 =	vadd.s32 v1, v4;
	_ =	sdelay $0x1  }
0x110: {  	s0 =	sld [smem:$0x7F9];
	v3 =	vadd.s32 v1, v3;
	_ =	sdelay $0x1  }
0x111: {  	s25 =	sld [smem:$0x7FA]  }
0x112: {  	[tilespmem:s0], [sflag:$0x3] =	stream.indirect_vreg.gather [hbm4b:s1+s3], $0x80, v4, vm0, $0xb8;
	[tilespmem:$0x18200] =	vst v63  }
0x113: {  	_ = 	snop  }
0x114: {  	[tilespmem:s25], [sflag:$0x3] =	stream.indirect_vreg.gather [hbm4b:s1+s3], $0x80, v3, vm0, $0xb8;
	[tilespmem:$0x18200] =	vst v63  }
0x115: {  	v3 =	vld [tilespmem:$0x160];
	_ =	sdelay $0x4  }
0x116: {  	v54 =	vshll.u32 v3, $0x1  }
0x117: {  	v3 =	vand.u32 $0x7, v3;
	v4 =	vand.u32 $0xFFFFFFF0, v54  }
0x118: {  	v3 =	vor.u32 v3, v4  }
0x119: {  	v4 =	vperm.xlane v3, v0;
	_ =	sdelay $0x1  }
0x11a: {  	v3 =	vperm.xlane v3, v2;
	v4 =	vadd.s32 v1, v4;
	_ =	sdelay $0x1  }
0x11b: {  	s0 =	sld [smem:$0x7FB];
	v3 =	vadd.s32 v1, v3;
	_ =	sdelay $0x1  }
0x11c: {  	s25 =	sld [smem:$0x7FC]  }
0x11d: {  	[tilespmem:s0], [sflag:$0x3] =	stream.indirect_vreg.gather [hbm4b:s1+s3], $0x80, v4, vm0, $0xb8;
	[tilespmem:$0x18200] =	vst v63  }
0x11e: {  	_ = 	snop  }
0x11f: {  	[tilespmem:s25], [sflag:$0x3] =	stream.indirect_vreg.gather [hbm4b:s1+s3], $0x80, v3, vm0, $0xb8;
	[tilespmem:$0x18200] =	vst v63  }
0x120: {  	v3 =	vld [tilespmem:$0x170];
	_ =	sdelay $0x4  }
0x121: {  	v55 =	vshll.u32 v3, $0x1  }
0x122: {  	v3 =	vand.u32 $0x7, v3;
	v4 =	vand.u32 $0xFFFFFFF0, v55  }
0x123: {  	v3 =	vor.u32 v3, v4  }
0x124: {  	v4 =	vperm.xlane v3, v0;
	_ =	sdelay $0x1  }
0x125: {  	v3 =	vperm.xlane v3, v2;
	v4 =	vadd.s32 v1, v4;
	_ =	sdelay $0x1  }
0x126: {  	s25 =	sld [smem:$0x7FD];
	v3 =	vadd.s32 v1, v3;
	_ =	sdelay $0x2  }
0x127: {  	[tilespmem:s25], [sflag:$0x3] =	stream.indirect_vreg.gather [hbm4b:s1+s3], $0x80, v4, vm0, $0xb8;
	[tilespmem:$0x18200] =	vst v63  }
0x128: {  	s25 =	simm.s32 $0x17A00  }
0x129: {  	[tilespmem:s25], [sflag:$0x3] =	stream.indirect_vreg.gather [hbm4b:s1+s3], $0x80, v3, vm0, $0xb8;
	[tilespmem:$0x18200] =	vst v63  }
0x12a: {  	_ =	swait.ge [sflag:s26], $0x8000  }
0x12b: {  	[sflag:s26] =	ssyncset.done $0x0  }
0x12c: {  	[sflag:s26] =	ssyncadd.s32 $0xFFFF8000  }
0x12d: {  	[hbm4b:s4+s3] =	stream.linear.scatter [tilespmem:s7], [sflag:$0x4], $0x8000, $0x38;
	[tilespmem:$0x18200] =	vst v63  }
0x12e: {  	_ =	swait.ge [sflag:s28], $0x8000  }
0x12f: {  	[sflag:s28] =	ssyncset.done $0x0  }
0x130: {  	[sflag:s28] =	ssyncadd.s32 $0xFFFF8000  }
0x131: {  	v3 =	vld [tilespmem:$0x180];
	_ =	sdelay $0x4  }
0x132: {  	v56 =	vshll.u32 v3, $0x1  }
0x133: {  	v3 =	vand.u32 $0x7, v3;
	v4 =	vand.u32 $0xFFFFFFF0, v56  }
0x134: {  	v3 =	vor.u32 v3, v4  }
0x135: {  	v4 =	vperm.xlane v3, v0;
	_ =	sdelay $0x1  }
0x136: {  	v3 =	vperm.xlane v3, v2;
	v4 =	vadd.s32 v1, v4;
	_ =	sdelay $0x1  }
0x137: {  	v3 =	vadd.s32 v1, v3;
	_ =	sdelay $0x2  }
0x138: {  	[tilespmem:s7], [sflag:$0x1] =	stream.indirect_vreg.gather [hbm4b:s1+s3], $0x80, v4, vm0, $0xb8;
	[tilespmem:$0x18200] =	vst v63  }
0x139: {  	_ = 	snop  }
0x13a: {  	[tilespmem:s8], [sflag:$0x1] =	stream.indirect_vreg.gather [hbm4b:s1+s3], $0x80, v3, vm0, $0xb8;
	[tilespmem:$0x18200] =	vst v63  }
0x13b: {  	v3 =	vld [tilespmem:$0x190];
	_ =	sdelay $0x4  }
0x13c: {  	v57 =	vshll.u32 v3, $0x1  }
0x13d: {  	v3 =	vand.u32 $0x7, v3;
	v4 =	vand.u32 $0xFFFFFFF0, v57  }
0x13e: {  	v3 =	vor.u32 v3, v4  }
0x13f: {  	v4 =	vperm.xlane v3, v0;
	_ =	sdelay $0x1  }
0x140: {  	v3 =	vperm.xlane v3, v2;
	v4 =	vadd.s32 v1, v4;
	_ =	sdelay $0x1  }
0x141: {  	v3 =	vadd.s32 v1, v3;
	_ =	sdelay $0x2  }
0x142: {  	[tilespmem:s9], [sflag:$0x1] =	stream.indirect_vreg.gather [hbm4b:s1+s3], $0x80, v4, vm0, $0xb8;
	[tilespmem:$0x18200] =	vst v63  }
0x143: {  	_ = 	snop  }
0x144: {  	[tilespmem:s10], [sflag:$0x1] =	stream.indirect_vreg.gather [hbm4b:s1+s3], $0x80, v3, vm0, $0xb8;
	[tilespmem:$0x18200] =	vst v63  }
0x145: {  	v3 =	vld [tilespmem:$0x1A0];
	_ =	sdelay $0x4  }
0x146: {  	v58 =	vshll.u32 v3, $0x1  }
0x147: {  	v3 =	vand.u32 $0x7, v3;
	v4 =	vand.u32 $0xFFFFFFF0, v58  }
0x148: {  	v3 =	vor.u32 v3, v4  }
0x149: {  	v4 =	vperm.xlane v3, v0;
	_ =	sdelay $0x1  }
0x14a: {  	v3 =	vperm.xlane v3, v2;
	v4 =	vadd.s32 v1, v4;
	_ =	sdelay $0x1  }
0x14b: {  	v3 =	vadd.s32 v1, v3;
	_ =	sdelay $0x2  }
0x14c: {  	[tilespmem:s11], [sflag:$0x1] =	stream.indirect_vreg.gather [hbm4b:s1+s3], $0x80, v4, vm0, $0xb8;
	[tilespmem:$0x18200] =	vst v63  }
0x14d: {  	_ = 	snop  }
0x14e: {  	[tilespmem:s12], [sflag:$0x1] =	stream.indirect_vreg.gather [hbm4b:s1+s3], $0x80, v3, vm0, $0xb8;
	[tilespmem:$0x18200] =	vst v63  }
0x14f: {  	v3 =	vld [tilespmem:$0x1B0];
	_ =	sdelay $0x4  }
0x150: {  	v59 =	vshll.u32 v3, $0x1  }
0x151: {  	v3 =	vand.u32 $0x7, v3;
	v4 =	vand.u32 $0xFFFFFFF0, v59  }
0x152: {  	v3 =	vor.u32 v3, v4  }
0x153: {  	v4 =	vperm.xlane v3, v0;
	_ =	sdelay $0x1  }
0x154: {  	v3 =	vperm.xlane v3, v2;
	v4 =	vadd.s32 v1, v4;
	_ =	sdelay $0x1  }
0x155: {  	v3 =	vadd.s32 v1, v3;
	_ =	sdelay $0x2  }
0x156: {  	[tilespmem:s13], [sflag:$0x1] =	stream.indirect_vreg.gather [hbm4b:s1+s3], $0x80, v4, vm0, $0xb8;
	[tilespmem:$0x18200] =	vst v63  }
0x157: {  	_ = 	snop  }
0x158: {  	[tilespmem:s14], [sflag:$0x1] =	stream.indirect_vreg.gather [hbm4b:s1+s3], $0x80, v3, vm0, $0xb8;
	[tilespmem:$0x18200] =	vst v63  }
0x159: {  	v3 =	vld [tilespmem:$0x1C0];
	_ =	sdelay $0x4  }
0x15a: {  	v60 =	vshll.u32 v3, $0x1  }
0x15b: {  	v3 =	vand.u32 $0x7, v3;
	v4 =	vand.u32 $0xFFFFFFF0, v60  }
0x15c: {  	v3 =	vor.u32 v3, v4  }
0x15d: {  	v4 =	vperm.xlane v3, v0;
	_ =	sdelay $0x1  }
0x15e: {  	v3 =	vperm.xlane v3, v2;
	v4 =	vadd.s32 v1, v4;
	_ =	sdelay $0x1  }
0x15f: {  	v3 =	vadd.s32 v1, v3;
	_ =	sdelay $0x2  }
0x160: {  	[tilespmem:s15], [sflag:$0x1] =	stream.indirect_vreg.gather [hbm4b:s1+s3], $0x80, v4, vm0, $0xb8;
	[tilespmem:$0x18200] =	vst v63  }
0x161: {  	_ = 	snop  }
0x162: {  	[tilespmem:s16], [sflag:$0x1] =	stream.indirect_vreg.gather [hbm4b:s1+s3], $0x80, v3, vm0, $0xb8;
	[tilespmem:$0x18200] =	vst v63  }
0x163: {  	v3 =	vld [tilespmem:$0x1D0];
	_ =	sdelay $0x4  }
0x164: {  	v61 =	vshll.u32 v3, $0x1  }
0x165: {  	v3 =	vand.u32 $0x7, v3;
	v4 =	vand.u32 $0xFFFFFFF0, v61  }
0x166: {  	v3 =	vor.u32 v3, v4  }
0x167: {  	v4 =	vperm.xlane v3, v0;
	_ =	sdelay $0x1  }
0x168: {  	v3 =	vperm.xlane v3, v2;
	v4 =	vadd.s32 v1, v4;
	_ =	sdelay $0x1  }
0x169: {  	v3 =	vadd.s32 v1, v3;
	_ =	sdelay $0x2  }
0x16a: {  	[tilespmem:s17], [sflag:$0x1] =	stream.indirect_vreg.gather [hbm4b:s1+s3], $0x80, v4, vm0, $0xb8;
	[tilespmem:$0x18200] =	vst v63  }
0x16b: {  	_ = 	snop  }
0x16c: {  	[tilespmem:s18], [sflag:$0x1] =	stream.indirect_vreg.gather [hbm4b:s1+s3], $0x80, v3, vm0, $0xb8;
	[tilespmem:$0x18200] =	vst v63  }
0x16d: {  	v3 =	vld [tilespmem:$0x1E0];
	_ =	sdelay $0x4  }
0x16e: {  	v62 =	vshll.u32 v3, $0x1  }
0x16f: {  	v3 =	vand.u32 $0x7, v3;
	v4 =	vand.u32 $0xFFFFFFF0, v62  }
0x170: {  	v3 =	vor.u32 v3, v4  }
0x171: {  	v4 =	vperm.xlane v3, v0;
	_ =	sdelay $0x1  }
0x172: {  	v3 =	vperm.xlane v3, v2;
	v4 =	vadd.s32 v1, v4;
	_ =	sdelay $0x1  }
0x173: {  	v3 =	vadd.s32 v1, v3;
	_ =	sdelay $0x2  }
0x174: {  	[tilespmem:s19], [sflag:$0x1] =	stream.indirect_vreg.gather [hbm4b:s1+s3], $0x80, v4, vm0, $0xb8;
	[tilespmem:$0x18200] =	vst v63  }
0x175: {  	_ = 	snop  }
0x176: {  	[tilespmem:s20], [sflag:$0x1] =	stream.indirect_vreg.gather [hbm4b:s1+s3], $0x80, v3, vm0, $0xb8;
	[tilespmem:$0x18200] =	vst v63  }
0x177: {  	v3 =	vld [tilespmem:$0x1F0];
	_ =	sdelay $0x4  }
0x178: {  	v63 =	vshll.u32 v3, $0x1  }
0x179: {  	v3 =	vand.u32 $0x7, v3;
	v4 =	vand.u32 $0xFFFFFFF0, v63  }
0x17a: {  	v3 =	vor.u32 v3, v4  }
0x17b: {  	v4 =	vperm.xlane v3, v0;
	_ =	sdelay $0x1  }
0x17c: {  	v3 =	vperm.xlane v3, v2;
	v4 =	vadd.s32 v1, v4;
	_ =	sdelay $0x1  }
0x17d: {  	v3 =	vadd.s32 v1, v3;
	_ =	sdelay $0x2  }
0x17e: {  	[tilespmem:s21], [sflag:$0x1] =	stream.indirect_vreg.gather [hbm4b:s1+s3], $0x80, v4, vm0, $0xb8;
	[tilespmem:$0x18200] =	vst v63  }
0x17f: {  	_ = 	snop  }
0x180: {  	[tilespmem:s22], [sflag:$0x1] =	stream.indirect_vreg.gather [hbm4b:s1+s3], $0x80, v3, vm0, $0xb8;
	[tilespmem:$0x18200] =	vst v63  }
0x181: {  	_ =	swait.ge [sflag:s29], $0x8000  }
0x182: {  	[sflag:s29] =	ssyncset.done $0x0  }
0x183: {  	s25 =	rddreg [dreg:$0x5];
	[sflag:s29] =	ssyncadd.s32 $0xFFFF8000  }
0x184: {  	[hbm4b:s25+s3] =	stream.linear.scatter [tilespmem:s23], [sflag:$0x5], $0x8000, $0x38;
	[tilespmem:$0x18200] =	vst v63  }
0x185: {  	_ =	swait.ge [sflag:s30], $0x8000  }
0x186: {  	[sflag:s30] =	ssyncset.done $0x0  }
0x187: {  	s25 =	rddreg [dreg:$0x6];
	[sflag:s30] =	ssyncadd.s32 $0xFFFF8000  }
0x188: {  	[hbm4b:s25+s3] =	stream.linear.scatter [tilespmem:s24], [sflag:$0x6], $0x8000, $0x38;
	[tilespmem:$0x18200] =	vst v63  }
0x189: {  	_ =	swait.ge [sflag:s26], $0x8000  }
0x18a: {  	[sflag:s26] =	ssyncset.done $0x0  }
0x18b: {  	s25 =	rddreg [dreg:$0x7];
	[sflag:s26] =	ssyncadd.s32 $0xFFFF8000  }
0x18c: {  	[hbm4b:s25+s3] =	stream.linear.scatter [tilespmem:s7], [sflag:$0x4], $0x8000, $0x38;
	[tilespmem:$0x18200] =	vst v63  }
0x18d: {  	_ =	swait.ge [sflag:s31], $0x8000  }
0x18e: {  	[sflag:s31] =	ssyncset.done $0x0  }
0x18f: {  	[sflag:s31] =	ssyncadd.s32 $0xFFFF8000  }
0x190: {  	p0 =	sne.s32 s5, $0x1;
	_ =	swait.ge [sflag:s2], $0x8000  }
.Ltmp0:
0x191: {  	[sflag:s2] =	ssyncset.done $0x0;
	(pc) =	sbr.rel @p0 .LBB2_1-.Ltmp0, $4  }
0x192: {  	[sflag:s2] =	ssyncadd.s32 $0xFFFF8000  }
0x193: {  	_ =	swait.ge [sflag:s28], $0x8000  }
0x194: {  	[sflag:s28] =	ssyncset.done $0x0  }
0x195: {  	s5 =	sadd.s32 $0xFFFFFFFF, s5;
	[sflag:s28] =	ssyncadd.s32 $0xFFFF8000  }
0x196: {  	_ =	sfence.sel $0x180000  }
0x197: {  	[bflag:$0x0] =	sbarrier.arrive $0xFFFF  }
0x198: {  	_ =	strace $0x90000047  }
0x199: {  	s0 =	stileid.u32;
	[bflag:$0x2] =	sbarrier.arrive $0xFFFF  }
0x19a: {  	p0 =	sne.s32 s0, $0x0;
	s0 =	rddreg [dreg:$0x3]  }
0x19b: {  	s0 =	sadd.s32 @!p0 $0x100000, s0  }
0x19c: {  	[sflag:s0] =	ssyncadd.tile.s32 @!p0 $0x1;
	_ =	shalt  }
.Lfunc_end2:
_tile_overlayer_lowered:
.L_overlay_start_2:
0x19d: {  	(tag) =	ssettag $0x2  }
0x19e: {  	s0 =	rddreg [dreg:$0x0];
	s2 =	stileid.u32  }
0x19f: {  	s1 =	rddreg [dreg:$0x1];
	p0 =	sne.s32 s2, $0x0  }
0x1a0: {  	s3 =	rddreg [dreg:$0x2];
	[bflag:$0x3] =	sbarrier.arrive $0xFFFF;
	s2 =	simm.s32 @!p0 $0x1C07  }
0x1a1: {  	[timem:s3], [sflag:s2] =	dma.local @!p0 [hbm:s0], s1  }
0x1a2: {  	s0 =	simm.s32 @!p0 $0x7  }
0x1a3: {  	_ =	swait.ge @!p0 [sflag:s0], s1  }
0x1a4: {  	s1 =	ssub.s32 @!p0 $0x0, s1;
	[sflag:s0] =	ssyncset.done @!p0 $0x0  }
0x1a5: {  	[sflag:s0] =	ssyncadd.s32 @!p0 s1  }
0x1a6: {  	[bflag:$0x3] =	sbarrier.arrive $0xFFFF  }
0x1a7: {  	_ =	shalt  }

</sc_bundles>
